<compile_context>
chip_gen: v7x
topology: tpu7x:2x2x1
jax: 0.10.2.dev20260603
libtpu: 0.0.44.dev20260713+nightly
codegen_flags: <defaults>
</compile_context>

<pallas_src>
import jax
import jax.numpy as jnp
from jax import lax
from jax.experimental import pallas as pl
from jax.experimental.pallas import tpu as pltpu
from jax.experimental.pallas import tpu_sc as plsc

N = 10000
E = 320000
D = 128
NC = 2
NS = 16
NW = NC * NS
B = 128
NB = E // B
FULL_ROUNDS = NB // NW
TAIL = NB - FULL_ROUNDS * NW
RPT = 624
TAIL_ROWS = N - NS * RPT

_mesh = plsc.VectorSubcoreMesh(core_axis_name="c", subcore_axis_name="s")


def _worker_id():
    return lax.axis_index("s") * NC + lax.axis_index("c")


def _n_batches(wid):
    return FULL_ROUNDS + jnp.where(wid < TAIL, 1, 0)


def _sc_agg_body(x_hbm, src_hbm, dst_hbm, out_hbm,
                 src_v, dst_v, rows_v, acc_sh, sem):
    c = lax.axis_index("c")
    s = lax.axis_index("s")
    wid = _worker_id()
    zero16 = jnp.zeros((16,), jnp.float32)

    def init_row(i, carry):
        for j in range(D // 16):
            rows_v[i, pl.ds(j * 16, 16)] = zero16
        return carry

    lax.fori_loop(0, B, init_row, 0)

    base_row = s * RPT
    for k in range(RPT // B):
        pltpu.sync_copy(rows_v, acc_sh.at[pl.ds(base_row + k * B, B)])
    rem = RPT % B
    if rem:
        pltpu.sync_copy(rows_v.at[pl.ds(0, rem)],
                        acc_sh.at[pl.ds(base_row + (RPT // B) * B, rem)])

    @pl.when(s == NS - 1)
    def _zero_tail():
        pltpu.sync_copy(rows_v.at[pl.ds(0, TAIL_ROWS)],
                        acc_sh.at[pl.ds(NS * RPT, TAIL_ROWS)])

    plsc.subcore_barrier()

    def batch_body(b, carry):
        base = (b * NW + wid) * B
        pltpu.sync_copy(src_hbm.at[pl.ds(base, B)], src_v)
        pltpu.sync_copy(dst_hbm.at[pl.ds(base, B)], dst_v)
        pltpu.async_copy(x_hbm.at[src_v], rows_v, sem).wait()
        pltpu.sync_copy(rows_v, acc_sh.at[dst_v], add=True)
        return carry

    lax.fori_loop(0, _n_batches(wid), batch_body, 0)
    plsc.subcore_barrier()

    out_base = c * N + s * RPT
    pltpu.sync_copy(acc_sh.at[pl.ds(s * RPT, RPT)],
                    out_hbm.at[pl.ds(out_base, RPT)])

    @pl.when(s == NS - 1)
    def _write_tail():
        pltpu.sync_copy(acc_sh.at[pl.ds(NS * RPT, TAIL_ROWS)],
                        out_hbm.at[pl.ds(c * N + NS * RPT, TAIL_ROWS)])


_sc_agg = pl.kernel(
    _sc_agg_body,
    out_type=jax.ShapeDtypeStruct((NC * N, D), jnp.float32),
    mesh=_mesh,
    scratch_types=[
        pltpu.VMEM((B,), jnp.int32),
        pltpu.VMEM((B,), jnp.int32),
        pltpu.VMEM((B, D), jnp.float32),
        pltpu.VMEM_SHARED((N, D), jnp.float32),
        pltpu.SemaphoreType.DMA,
    ],
)


def _sc_deg_body(dst_hbm, deg_hbm, dst_v, ones_v, deg_sh, sem):
    c = lax.axis_index("c")
    s = lax.axis_index("s")
    wid = _worker_id()
    del sem
    zero16 = jnp.zeros((16,), jnp.float32)
    one16 = jnp.ones((16,), jnp.float32)

    def zero_row(i, carry):
        for j in range(D // 16):
            ones_v[i, pl.ds(16 * j, 16)] = zero16
        return carry

    lax.fori_loop(0, B, zero_row, 0)

    base_row = s * RPT
    for k in range(RPT // B):
        pltpu.sync_copy(ones_v, deg_sh.at[pl.ds(base_row + k * B, B)])
    rem = RPT % B
    if rem:
        pltpu.sync_copy(ones_v.at[pl.ds(0, rem)],
                        deg_sh.at[pl.ds(base_row + (RPT // B) * B, rem)])

    @pl.when(s == NS - 1)
    def _zero_tail():
        pltpu.sync_copy(ones_v.at[pl.ds(0, TAIL_ROWS)],
                        deg_sh.at[pl.ds(NS * RPT, TAIL_ROWS)])

    def ones_row(i, carry):
        for j in range(D // 16):
            ones_v[i, pl.ds(16 * j, 16)] = one16
        return carry

    lax.fori_loop(0, B, ones_row, 0)
    plsc.subcore_barrier()

    def batch_body(b, carry):
        base = (b * NW + wid) * B
        pltpu.sync_copy(dst_hbm.at[pl.ds(base, B)], dst_v)
        pltpu.sync_copy(ones_v, deg_sh.at[dst_v], add=True)
        return carry

    lax.fori_loop(0, _n_batches(wid), batch_body, 0)
    plsc.subcore_barrier()

    out_base = c * N + s * RPT
    pltpu.sync_copy(deg_sh.at[pl.ds(s * RPT, RPT)],
                    deg_hbm.at[pl.ds(out_base, RPT)])

    @pl.when(s == NS - 1)
    def _write_tail():
        pltpu.sync_copy(deg_sh.at[pl.ds(NS * RPT, TAIL_ROWS)],
                        deg_hbm.at[pl.ds(c * N + NS * RPT, TAIL_ROWS)])


_sc_deg = pl.kernel(
    _sc_deg_body,
    out_type=jax.ShapeDtypeStruct((NC * N, D), jnp.float32),
    mesh=_mesh,
    scratch_types=[
        pltpu.VMEM((B,), jnp.int32),
        pltpu.VMEM((B, D), jnp.float32),
        pltpu.VMEM_SHARED((N, D), jnp.float32),
        pltpu.SemaphoreType.DMA,
    ],
)

BLK = 1000


def _tc_layer_body(p0_r, p1_r, d0_r, d1_r, x_r, wl_r, bl_r, wr_r, o_r):
    agg = p0_r[...] + p1_r[...]
    deg = d0_r[...][:, :1] + d1_r[...][:, :1]
    mean = agg / jnp.maximum(deg, 1.0)
    h = (jnp.dot(mean, wl_r[...], preferred_element_type=jnp.float32)
         + bl_r[...]
         + jnp.dot(x_r[...], wr_r[...], preferred_element_type=jnp.float32))
    o_r[...] = jnp.maximum(h, 0.0)


def _tc_final_body(p0_r, p1_r, d0_r, d1_r, x_r, wl_r, bl_r, wr_r,
                   wo_r, bo_r, o_r):
    agg = p0_r[...] + p1_r[...]
    deg = d0_r[...][:, :1] + d1_r[...][:, :1]
    mean = agg / jnp.maximum(deg, 1.0)
    h = (jnp.dot(mean, wl_r[...], preferred_element_type=jnp.float32)
         + bl_r[...]
         + jnp.dot(x_r[...], wr_r[...], preferred_element_type=jnp.float32))
    h = jnp.maximum(h, 0.0)
    o_r[...] = jnp.dot(h, wo_r[...], preferred_element_type=jnp.float32) + bo_r[...]


_row_spec = pl.BlockSpec((BLK, D), lambda i: (i, 0))
_deg_spec = pl.BlockSpec((BLK, D), lambda i: (i, 0))
_w_spec = pl.BlockSpec((D, D), lambda i: (0, 0))
_b_spec = pl.BlockSpec((1, D), lambda i: (0, 0))

_tc_layer = pl.pallas_call(
    _tc_layer_body,
    grid=(N // BLK,),
    in_specs=[_row_spec, _row_spec, _deg_spec, _deg_spec, _row_spec,
              _w_spec, _b_spec, _w_spec],
    out_specs=_row_spec,
    out_shape=jax.ShapeDtypeStruct((N, D), jnp.float32),
)

_tc_final = pl.pallas_call(
    _tc_final_body,
    grid=(N // BLK,),
    in_specs=[_row_spec, _row_spec, _deg_spec, _deg_spec, _row_spec,
              _w_spec, _b_spec, _w_spec, _w_spec, _b_spec],
    out_specs=_row_spec,
    out_shape=jax.ShapeDtypeStruct((N, D), jnp.float32),
)


def kernel(x, edge_index, W_l0, b_l0, W_r0, W_l1, b_l1, W_r1, W_out, b_out):
    src = edge_index[0].astype(jnp.int32)
    dst = edge_index[1].astype(jnp.int32)
    dg = _sc_deg(dst)
    p = _sc_agg(x, src, dst)
    d0, d1 = dg[:N], dg[N:]
    h = _tc_layer(p[:N], p[N:], d0, d1, x,
                  W_l0, b_l0.reshape(1, D), W_r0)
    q = _sc_agg(h, src, dst)
    out = _tc_final(q[:N], q[N:], d0, d1, h,
                    W_l1, b_l1.reshape(1, D), W_r1,
                    W_out, b_out.reshape(1, D))
    return out

# --- scband reference (transcript-rebuilt; emitter-appended) ---
"""Pipeline reference for scband-hetero-gnn-11974368821561 (READ-ONLY COPY).

The authoritative reference and input builder live on the scoring server;
editing this copy changes nothing except your own understanding.
"""

import jax, jax.numpy as jnp
import numpy as np

N_NODES = 10000
N_EDGES = 320000
D = 128
D_OUT = 128

def _sage_layer(x, src, dst, Wl, bl, Wr):
    msgs = jnp.take(x, src, axis=0)
    agg = jax.ops.segment_sum(msgs, dst, num_segments=N_NODES)
    deg = jax.ops.segment_sum(jnp.ones((src.shape[0], 1), x.dtype), dst, num_segments=N_NODES)
    agg = agg / jnp.maximum(deg, 1.0)
    return agg @ Wl + bl + x @ Wr

def setup_inputs(seed: int = 0) -> dict:
    key = jax.random.key(seed)
    ks = jax.random.split(key, 12)
    s = 1.0 / np.sqrt(D)
    x = jax.random.normal(ks[0], (N_NODES, D), dtype=jnp.float32)
    edge_index = jax.random.randint(ks[1], (2, N_EDGES), 0, N_NODES, dtype=jnp.int64)
    W_l0 = jax.random.normal(ks[2], (D, D), dtype=jnp.float32) * s
    b_l0 = jnp.zeros((D,), dtype=jnp.float32)
    W_r0 = jax.random.normal(ks[3], (D, D), dtype=jnp.float32) * s
    W_l1 = jax.random.normal(ks[4], (D, D), dtype=jnp.float32) * s
    b_l1 = jnp.zeros((D,), dtype=jnp.float32)
    W_r1 = jax.random.normal(ks[5], (D, D), dtype=jnp.float32) * s
    W_out = jax.random.normal(ks[6], (D, D_OUT), dtype=jnp.float32) * s
    b_out = jnp.zeros((D_OUT,), dtype=jnp.float32)
    return {"x": x, "edge_index": edge_index, "W_l0": W_l0, "b_l0": b_l0, "W_r0": W_r0, "W_l1": W_l1, "b_l1": b_l1, "W_r1": W_r1, "W_out": W_out, "b_out": b_out}

def reference(x, edge_index, W_l0, b_l0, W_r0, W_l1, b_l1, W_r1, W_out, b_out):
    src = edge_index[0]
    dst = edge_index[1]
    h = _sage_layer(x, src, dst, W_l0, b_l0, W_r0)
    h = jax.nn.relu(h)
    h = _sage_layer(h, src, dst, W_l1, b_l1, W_r1)
    h = jax.nn.relu(h)
    return h @ W_out + b_out

if __name__ == "__main__":
    import jax
    _d = setup_inputs()
    print(jax.jit(kernel)(*tuple(_d.values())))

</pallas_src>

<mosaic_0001>
#map = affine_map<(d0, d1) -> (0)>
#map1 = affine_map<(d0, d1) -> (0, 0)>
module attributes {stable_mosaic.version = 14 : i64} {
  func.func @_sc_deg_body(%arg0: i32, %arg1: i32, %arg2: memref<320000xi32, #tpu.memory_space<hbm>>, %arg3: memref<20000x128xf32, #tpu.memory_space<hbm>>, %arg4: memref<128xi32, #tpu.memory_space<vmem>>, %arg5: memref<128x128xf32, #tpu.memory_space<vmem>>, %arg6: memref<10000x128xf32, #tpu.memory_space<vmem_shared>>, %arg7: memref<!tpu.dma_semaphore, #tpu.memory_space<semaphore_mem>>) attributes {dimension_semantics = [#tpu.dimension_semantics<core_parallel>, #tpu.dimension_semantics<subcore_parallel>], iteration_bounds = array<i64: 2, 16>, scalar_prefetch = 0 : i64, scratch_operands = 4 : i64, tpu.core_type = #tpu.core_type<sc_vector_subcore>, window_params = [{transform_indices = #map}, {transform_indices = #map1}]} {
    %mul3A = arith.constant 2 : i32
    %mul3A_0 = arith.muli %arg1, %mul3A : i32
    %add3A = arith.addi %mul3A_0, %arg0 : i32
    %broadcast_in_dim3A = arith.constant 0.000000e+00 : f32
    %broadcast_in_dim3A_1 = vector.broadcast %broadcast_in_dim3A : f32 to vector<16xf32>
    %broadcast_in_dim3A_2 = arith.constant 1.000000e+00 : f32
    %broadcast_in_dim3A_3 = vector.broadcast %broadcast_in_dim3A_2 : f32 to vector<16xf32>
    %scan3A = arith.constant 0 : i32
    %scan3A_4 = arith.constant 0 : i32
    %scan3A_5 = arith.constant 128 : i32
    %scan3A_6 = arith.addi %scan3A_4, %scan3A_5 : i32
    %scan3A_7 = arith.constant 1 : i32
    scf.for %scan3A_55 = %scan3A_4 to %scan3A_6 step %scan3A_7  : i32 {
      %swap3A = arith.index_cast %scan3A_55 : i32 to index
      %swap3A_56 = arith.constant 0 : index
      %swap3A_57 = tpu.vector_load %arg5[%swap3A, %swap3A_56] {strides = array<i32>} : memref<128x128xf32, #tpu.memory_space<vmem>>, vector<1x16xf32>,
      %swap3A_58 = vector.shape_cast %swap3A_57 : vector<1x16xf32> to vector<16xf32>
      %swap3A_59 = vector.shape_cast %broadcast_in_dim3A_1 : vector<16xf32> to vector<1x16xf32>
      tpu.vector_store %arg5[%swap3A, %swap3A_56], %swap3A_59 {strides = array<i32>} : memref<128x128xf32, #tpu.memory_space<vmem>>, vector<1x16xf32>,
      %swap3A_60 = arith.index_cast %scan3A_55 : i32 to index
      %swap3A_61 = arith.constant 16 : index
      %swap3A_62 = tpu.vector_load %arg5[%swap3A_60, %swap3A_61] {strides = array<i32>} : memref<128x128xf32, #tpu.memory_space<vmem>>, vector<1x16xf32>,
      %swap3A_63 = vector.shape_cast %swap3A_62 : vector<1x16xf32> to vector<16xf32>
      %swap3A_64 = vector.shape_cast %broadcast_in_dim3A_1 : vector<16xf32> to vector<1x16xf32>
      tpu.vector_store %arg5[%swap3A_60, %swap3A_61], %swap3A_64 {strides = array<i32>} : memref<128x128xf32, #tpu.memory_space<vmem>>, vector<1x16xf32>,
      %swap3A_65 = arith.index_cast %scan3A_55 : i32 to index
      %swap3A_66 = arith.constant 32 : index
      %swap3A_67 = tpu.vector_load %arg5[%swap3A_65, %swap3A_66] {strides = array<i32>} : memref<128x128xf32, #tpu.memory_space<vmem>>, vector<1x16xf32>,
      %swap3A_68 = vector.shape_cast %swap3A_67 : vector<1x16xf32> to vector<16xf32>
      %swap3A_69 = vector.shape_cast %broadcast_in_dim3A_1 : vector<16xf32> to vector<1x16xf32>
      tpu.vector_store %arg5[%swap3A_65, %swap3A_66], %swap3A_69 {strides = array<i32>} : memref<128x128xf32, #tpu.memory_space<vmem>>, vector<1x16xf32>,
      %swap3A_70 = arith.index_cast %scan3A_55 : i32 to index
      %swap3A_71 = arith.constant 48 : index
      %swap3A_72 = tpu.vector_load %arg5[%swap3A_70, %swap3A_71] {strides = array<i32>} : memref<128x128xf32, #tpu.memory_space<vmem>>, vector<1x16xf32>,
      %swap3A_73 = vector.shape_cast %swap3A_72 : vector<1x16xf32> to vector<16xf32>
      %swap3A_74 = vector.shape_cast %broadcast_in_dim3A_1 : vector<16xf32> to vector<1x16xf32>
      tpu.vector_store %arg5[%swap3A_70, %swap3A_71], %swap3A_74 {strides = array<i32>} : memref<128x128xf32, #tpu.memory_space<vmem>>, vector<1x16xf32>,
      %swap3A_75 = arith.index_cast %scan3A_55 : i32 to index
      %swap3A_76 = arith.constant 64 : index
      %swap3A_77 = tpu.vector_load %arg5[%swap3A_75, %swap3A_76] {strides = array<i32>} : memref<128x128xf32, #tpu.memory_space<vmem>>, vector<1x16xf32>,
      %swap3A_78 = vector.shape_cast %swap3A_77 : vector<1x16xf32> to vector<16xf32>
      %swap3A_79 = vector.shape_cast %broadcast_in_dim3A_1 : vector<16xf32> to vector<1x16xf32>
      tpu.vector_store %arg5[%swap3A_75, %swap3A_76], %swap3A_79 {strides = array<i32>} : memref<128x128xf32, #tpu.memory_space<vmem>>, vector<1x16xf32>,
      %swap3A_80 = arith.index_cast %scan3A_55 : i32 to index
      %swap3A_81 = arith.constant 80 : index
      %swap3A_82 = tpu.vector_load %arg5[%swap3A_80, %swap3A_81] {strides = array<i32>} : memref<128x128xf32, #tpu.memory_space<vmem>>, vector<1x16xf32>,
      %swap3A_83 = vector.shape_cast %swap3A_82 : vector<1x16xf32> to vector<16xf32>
      %swap3A_84 = vector.shape_cast %broadcast_in_dim3A_1 : vector<16xf32> to vector<1x16xf32>
      tpu.vector_store %arg5[%swap3A_80, %swap3A_81], %swap3A_84 {strides = array<i32>} : memref<128x128xf32, #tpu.memory_space<vmem>>, vector<1x16xf32>,
      %swap3A_85 = arith.index_cast %scan3A_55 : i32 to index
      %swap3A_86 = arith.constant 96 : index
      %swap3A_87 = tpu.vector_load %arg5[%swap3A_85, %swap3A_86] {strides = array<i32>} : memref<128x128xf32, #tpu.memory_space<vmem>>, vector<1x16xf32>,
      %swap3A_88 = vector.shape_cast %swap3A_87 : vector<1x16xf32> to vector<16xf32>
      %swap3A_89 = vector.shape_cast %broadcast_in_dim3A_1 : vector<16xf32> to vector<1x16xf32>
      tpu.vector_store %arg5[%swap3A_85, %swap3A_86], %swap3A_89 {strides = array<i32>} : memref<128x128xf32, #tpu.memory_space<vmem>>, vector<1x16xf32>,
      %swap3A_90 = arith.index_cast %scan3A_55 : i32 to index
      %swap3A_91 = arith.constant 112 : index
      %swap3A_92 = tpu.vector_load %arg5[%swap3A_90, %swap3A_91] {strides = array<i32>} : memref<128x128xf32, #tpu.memory_space<vmem>>, vector<1x16xf32>,
      %swap3A_93 = vector.shape_cast %swap3A_92 : vector<1x16xf32> to vector<16xf32>
      %swap3A_94 = vector.shape_cast %broadcast_in_dim3A_1 : vector<16xf32> to vector<1x16xf32>
      tpu.vector_store %arg5[%swap3A_90, %swap3A_91], %swap3A_94 {strides = array<i32>} : memref<128x128xf32, #tpu.memory_space<vmem>>, vector<1x16xf32>,
    }
    %scan3A_8 = arith.constant 128 : i32
    %mul3A_9 = arith.constant 624 : i32
    %mul3A_10 = arith.muli %arg1, %mul3A_9 : i32
    %add3A_11 = arith.constant 0 : i32
    %add3A_12 = arith.addi %mul3A_10, %add3A_11 : i32
    "tpu.region"() ({
      %run_scoped3A = tpu.sem_alloc : memref<!tpu.dma_semaphore, #tpu.memory_space<semaphore_mem>>
      %dma_start3A = arith.constant 0 : i32
      %dma_start3A_55 = tpu.memref_slice %arg6[%add3A_12, %dma_start3A] : memref<10000x128xf32, #tpu.memory_space<vmem_shared>> -> memref<128x128xf32, #tpu.memory_space<vmem_shared>>
      %dma_start3A_56 = arith.constant 0 : i32
      %dma_start3A_57 = tpu.memref_slice %arg6[%add3A_12, %dma_start3A_56] : memref<10000x128xf32, #tpu.memory_space<vmem_shared>> -> memref<128x128xf32, #tpu.memory_space<vmem_shared>>
      tpu.enqueue_dma source(%arg5 : memref<128x128xf32, #tpu.memory_space<vmem>>) target(%dma_start3A_57 : memref<128x128xf32, #tpu.memory_space<vmem_shared>>) target_semaphore(%run_scoped3A : memref<!tpu.dma_semaphore, #tpu.memory_space<semaphore_mem>>)
      %dma_wait3A = arith.constant 0 : i32
      %dma_wait3A_58 = tpu.memref_slice %arg6[%add3A_12, %dma_wait3A] : memref<10000x128xf32, #tpu.memory_space<vmem_shared>> -> memref<128x128xf32, #tpu.memory_space<vmem_shared>>
      %dma_wait3A_59 = arith.constant 0 : i32
      %dma_wait3A_60 = tpu.memref_slice %arg6[%add3A_12, %dma_wait3A_59] : memref<10000x128xf32, #tpu.memory_space<vmem_shared>> -> memref<128x128xf32, #tpu.memory_space<vmem_shared>>
      tpu.wait_dma2 semaphore(%run_scoped3A : memref<!tpu.dma_semaphore, #tpu.memory_space<semaphore_mem>>) src(%arg5 : memref<128x128xf32, #tpu.memory_space<vmem>>) dst(%dma_wait3A_60 : memref<128x128xf32, #tpu.memory_space<vmem_shared>>)
      tpu.yield
    }) : () -> ()
    %add3A_13 = arith.constant 128 : i32
    %add3A_14 = arith.addi %mul3A_10, %add3A_13 : i32
    "tpu.region"() ({
      %run_scoped3A = tpu.sem_alloc : memref<!tpu.dma_semaphore, #tpu.memory_space<semaphore_mem>>
      %dma_start3A = arith.constant 0 : i32
      %dma_start3A_55 = tpu.memref_slice %arg6[%add3A_14, %dma_start3A] : memref<10000x128xf32, #tpu.memory_space<vmem_shared>> -> memref<128x128xf32, #tpu.memory_space<vmem_shared>>
      %dma_start3A_56 = arith.constant 0 : i32
      %dma_start3A_57 = tpu.memref_slice %arg6[%add3A_14, %dma_start3A_56] : memref<10000x128xf32, #tpu.memory_space<vmem_shared>> -> memref<128x128xf32, #tpu.memory_space<vmem_shared>>
      tpu.enqueue_dma source(%arg5 : memref<128x128xf32, #tpu.memory_space<vmem>>) target(%dma_start3A_57 : memref<128x128xf32, #tpu.memory_space<vmem_shared>>) target_semaphore(%run_scoped3A : memref<!tpu.dma_semaphore, #tpu.memory_space<semaphore_mem>>)
      %dma_wait3A = arith.constant 0 : i32
      %dma_wait3A_58 = tpu.memref_slice %arg6[%add3A_14, %dma_wait3A] : memref<10000x128xf32, #tpu.memory_space<vmem_shared>> -> memref<128x128xf32, #tpu.memory_space<vmem_shared>>
      %dma_wait3A_59 = arith.constant 0 : i32
      %dma_wait3A_60 = tpu.memref_slice %arg6[%add3A_14, %dma_wait3A_59] : memref<10000x128xf32, #tpu.memory_space<vmem_shared>> -> memref<128x128xf32, #tpu.memory_space<vmem_shared>>
      tpu.wait_dma2 semaphore(%run_scoped3A : memref<!tpu.dma_semaphore, #tpu.memory_space<semaphore_mem>>) src(%arg5 : memref<128x128xf32, #tpu.memory_space<vmem>>) dst(%dma_wait3A_60 : memref<128x128xf32, #tpu.memory_space<vmem_shared>>)
      tpu.yield
    }) : () -> ()
    %add3A_15 = arith.constant 256 : i32
    %add3A_16 = arith.addi %mul3A_10, %add3A_15 : i32
    "tpu.region"() ({
      %run_scoped3A = tpu.sem_alloc : memref<!tpu.dma_semaphore, #tpu.memory_space<semaphore_mem>>
      %dma_start3A = arith.constant 0 : i32
      %dma_start3A_55 = tpu.memref_slice %arg6[%add3A_16, %dma_start3A] : memref<10000x128xf32, #tpu.memory_space<vmem_shared>> -> memref<128x128xf32, #tpu.memory_space<vmem_shared>>
      %dma_start3A_56 = arith.constant 0 : i32
      %dma_start3A_57 = tpu.memref_slice %arg6[%add3A_16, %dma_start3A_56] : memref<10000x128xf32, #tpu.memory_space<vmem_shared>> -> memref<128x128xf32, #tpu.memory_space<vmem_shared>>
      tpu.enqueue_dma source(%arg5 : memref<128x128xf32, #tpu.memory_space<vmem>>) target(%dma_start3A_57 : memref<128x128xf32, #tpu.memory_space<vmem_shared>>) target_semaphore(%run_scoped3A : memref<!tpu.dma_semaphore, #tpu.memory_space<semaphore_mem>>)
      %dma_wait3A = arith.constant 0 : i32
      %dma_wait3A_58 = tpu.memref_slice %arg6[%add3A_16, %dma_wait3A] : memref<10000x128xf32, #tpu.memory_space<vmem_shared>> -> memref<128x128xf32, #tpu.memory_space<vmem_shared>>
      %dma_wait3A_59 = arith.constant 0 : i32
      %dma_wait3A_60 = tpu.memref_slice %arg6[%add3A_16, %dma_wait3A_59] : memref<10000x128xf32, #tpu.memory_space<vmem_shared>> -> memref<128x128xf32, #tpu.memory_space<vmem_shared>>
      tpu.wait_dma2 semaphore(%run_scoped3A : memref<!tpu.dma_semaphore, #tpu.memory_space<semaphore_mem>>) src(%arg5 : memref<128x128xf32, #tpu.memory_space<vmem>>) dst(%dma_wait3A_60 : memref<128x128xf32, #tpu.memory_space<vmem_shared>>)
      tpu.yield
    }) : () -> ()
    %add3A_17 = arith.constant 384 : i32
    %add3A_18 = arith.addi %mul3A_10, %add3A_17 : i32
    "tpu.region"() ({
      %run_scoped3A = tpu.sem_alloc : memref<!tpu.dma_semaphore, #tpu.memory_space<semaphore_mem>>
      %dma_start3A = arith.constant 0 : i32
      %dma_start3A_55 = tpu.memref_slice %arg6[%add3A_18, %dma_start3A] : memref<10000x128xf32, #tpu.memory_space<vmem_shared>> -> memref<128x128xf32, #tpu.memory_space<vmem_shared>>
      %dma_start3A_56 = arith.constant 0 : i32
      %dma_start3A_57 = tpu.memref_slice %arg6[%add3A_18, %dma_start3A_56] : memref<10000x128xf32, #tpu.memory_space<vmem_shared>> -> memref<128x128xf32, #tpu.memory_space<vmem_shared>>
      tpu.enqueue_dma source(%arg5 : memref<128x128xf32, #tpu.memory_space<vmem>>) target(%dma_start3A_57 : memref<128x128xf32, #tpu.memory_space<vmem_shared>>) target_semaphore(%run_scoped3A : memref<!tpu.dma_semaphore, #tpu.memory_space<semaphore_mem>>)
      %dma_wait3A = arith.constant 0 : i32
      %dma_wait3A_58 = tpu.memref_slice %arg6[%add3A_18, %dma_wait3A] : memref<10000x128xf32, #tpu.memory_space<vmem_shared>> -> memref<128x128xf32, #tpu.memory_space<vmem_shared>>
      %dma_wait3A_59 = arith.constant 0 : i32
      %dma_wait3A_60 = tpu.memref_slice %arg6[%add3A_18, %dma_wait3A_59] : memref<10000x128xf32, #tpu.memory_space<vmem_shared>> -> memref<128x128xf32, #tpu.memory_space<vmem_shared>>
      tpu.wait_dma2 semaphore(%run_scoped3A : memref<!tpu.dma_semaphore, #tpu.memory_space<semaphore_mem>>) src(%arg5 : memref<128x128xf32, #tpu.memory_space<vmem>>) dst(%dma_wait3A_60 : memref<128x128xf32, #tpu.memory_space<vmem_shared>>)
      tpu.yield
    }) : () -> ()
    %add3A_19 = arith.constant 512 : i32
    %add3A_20 = arith.addi %mul3A_10, %add3A_19 : i32
    "tpu.region"() ({
      %run_scoped3A = tpu.sem_alloc : memref<!tpu.dma_semaphore, #tpu.memory_space<semaphore_mem>>
      %dma_start3A = arith.constant 0 : i32
      %dma_start3A_55 = arith.constant 0 : i32
      %dma_start3A_56 = tpu.memref_slice %arg5[%dma_start3A, %dma_start3A_55] : memref<128x128xf32, #tpu.memory_space<vmem>> -> memref<112x128xf32, #tpu.memory_space<vmem>>
      %dma_start3A_57 = arith.constant 0 : i32
      %dma_start3A_58 = tpu.memref_slice %arg6[%add3A_20, %dma_start3A_57] : memref<10000x128xf32, #tpu.memory_space<vmem_shared>> -> memref<112x128xf32, #tpu.memory_space<vmem_shared>>
      %dma_start3A_59 = arith.constant 0 : i32
      %dma_start3A_60 = tpu.memref_slice %arg6[%add3A_20, %dma_start3A_59] : memref<10000x128xf32, #tpu.memory_space<vmem_shared>> -> memref<112x128xf32, #tpu.memory_space<vmem_shared>>
      %dma_start3A_61 = arith.constant 0 : i32
      %dma_start3A_62 = arith.constant 0 : i32
      %dma_start3A_63 = tpu.memref_slice %arg5[%dma_start3A_61, %dma_start3A_62] : memref<128x128xf32, #tpu.memory_space<vmem>> -> memref<112x128xf32, #tpu.memory_space<vmem>>
      tpu.enqueue_dma source(%dma_start3A_63 : memref<112x128xf32, #tpu.memory_space<vmem>>) target(%dma_start3A_60 : memref<112x128xf32, #tpu.memory_space<vmem_shared>>) target_semaphore(%run_scoped3A : memref<!tpu.dma_semaphore, #tpu.memory_space<semaphore_mem>>)
      %dma_wait3A = arith.constant 0 : i32
      %dma_wait3A_64 = arith.constant 0 : i32
      %dma_wait3A_65 = tpu.memref_slice %arg5[%dma_wait3A, %dma_wait3A_64] : memref<128x128xf32, #tpu.memory_space<vmem>> -> memref<112x128xf32, #tpu.memory_space<vmem>>
      %dma_wait3A_66 = arith.constant 0 : i32
      %dma_wait3A_67 = tpu.memref_slice %arg6[%add3A_20, %dma_wait3A_66] : memref<10000x128xf32, #tpu.memory_space<vmem_shared>> -> memref<112x128xf32, #tpu.memory_space<vmem_shared>>
      %dma_wait3A_68 = arith.constant 0 : i32
      %dma_wait3A_69 = tpu.memref_slice %arg6[%add3A_20, %dma_wait3A_68] : memref<10000x128xf32, #tpu.memory_space<vmem_shared>> -> memref<112x128xf32, #tpu.memory_space<vmem_shared>>
      %dma_wait3A_70 = arith.constant 0 : i32
      %dma_wait3A_71 = arith.constant 0 : i32
      %dma_wait3A_72 = tpu.memref_slice %arg5[%dma_wait3A_70, %dma_wait3A_71] : memref<128x128xf32, #tpu.memory_space<vmem>> -> memref<112x128xf32, #tpu.memory_space<vmem>>
      tpu.wait_dma2 semaphore(%run_scoped3A : memref<!tpu.dma_semaphore, #tpu.memory_space<semaphore_mem>>) src(%dma_wait3A_72 : memref<112x128xf32, #tpu.memory_space<vmem>>) dst(%dma_wait3A_69 : memref<112x128xf32, #tpu.memory_space<vmem_shared>>)
      tpu.yield
    }) : () -> ()
    %eq3A = arith.constant 15 : i32
    %eq3A_21 = arith.cmpi eq, %arg1, %eq3A : i32
    %convert_element_type3A = arith.extui %eq3A_21 : i1 to i32
    %cond3A = arith.constant 0 : i32
    %cond3A_22 = arith.cmpi ne, %convert_element_type3A, %cond3A : i32
    scf.if %cond3A_22 {
      "tpu.region"() ({
        %run_scoped3A = tpu.sem_alloc : memref<!tpu.dma_semaphore, #tpu.memory_space<semaphore_mem>>
        %dma_start3A = arith.constant 0 : i32
        %dma_start3A_55 = arith.constant 0 : i32
        %dma_start3A_56 = tpu.memref_slice %arg5[%dma_start3A, %dma_start3A_55] : memref<128x128xf32, #tpu.memory_space<vmem>> -> memref<16x128xf32, #tpu.memory_space<vmem>>
        %dma_start3A_57 = arith.constant 9984 : i32
        %dma_start3A_58 = arith.constant 0 : i32
        %dma_start3A_59 = tpu.memref_slice %arg6[%dma_start3A_57, %dma_start3A_58] : memref<10000x128xf32, #tpu.memory_space<vmem_shared>> -> memref<16x128xf32, #tpu.memory_space<vmem_shared>>
        %dma_start3A_60 = arith.constant 9984 : i32
        %dma_start3A_61 = arith.constant 0 : i32
        %dma_start3A_62 = tpu.memref_slice %arg6[%dma_start3A_60, %dma_start3A_61] : memref<10000x128xf32, #tpu.memory_space<vmem_shared>> -> memref<16x128xf32, #tpu.memory_space<vmem_shared>>
        %dma_start3A_63 = arith.constant 0 : i32
        %dma_start3A_64 = arith.constant 0 : i32
        %dma_start3A_65 = tpu.memref_slice %arg5[%dma_start3A_63, %dma_start3A_64] : memref<128x128xf32, #tpu.memory_space<vmem>> -> memref<16x128xf32, #tpu.memory_space<vmem>>
        tpu.enqueue_dma source(%dma_start3A_65 : memref<16x128xf32, #tpu.memory_space<vmem>>) target(%dma_start3A_62 : memref<16x128xf32, #tpu.memory_space<vmem_shared>>) target_semaphore(%run_scoped3A : memref<!tpu.dma_semaphore, #tpu.memory_space<semaphore_mem>>)
        %dma_wait3A = arith.constant 0 : i32
        %dma_wait3A_66 = arith.constant 0 : i32
        %dma_wait3A_67 = tpu.memref_slice %arg5[%dma_wait3A, %dma_wait3A_66] : memref<128x128xf32, #tpu.memory_space<vmem>> -> memref<16x128xf32, #tpu.memory_space<vmem>>
        %dma_wait3A_68 = arith.constant 9984 : i32
        %dma_wait3A_69 = arith.constant 0 : i32
        %dma_wait3A_70 = tpu.memref_slice %arg6[%dma_wait3A_68, %dma_wait3A_69] : memref<10000x128xf32, #tpu.memory_space<vmem_shared>> -> memref<16x128xf32, #tpu.memory_space<vmem_shared>>
        %dma_wait3A_71 = arith.constant 9984 : i32
        %dma_wait3A_72 = arith.constant 0 : i32
        %dma_wait3A_73 = tpu.memref_slice %arg6[%dma_wait3A_71, %dma_wait3A_72] : memref<10000x128xf32, #tpu.memory_space<vmem_shared>> -> memref<16x128xf32, #tpu.memory_space<vmem_shared>>
        %dma_wait3A_74 = arith.constant 0 : i32
        %dma_wait3A_75 = arith.constant 0 : i32
        %dma_wait3A_76 = tpu.memref_slice %arg5[%dma_wait3A_74, %dma_wait3A_75] : memref<128x128xf32, #tpu.memory_space<vmem>> -> memref<16x128xf32, #tpu.memory_space<vmem>>
        tpu.wait_dma2 semaphore(%run_scoped3A : memref<!tpu.dma_semaphore, #tpu.memory_space<semaphore_mem>>) src(%dma_wait3A_76 : memref<16x128xf32, #tpu.memory_space<vmem>>) dst(%dma_wait3A_73 : memref<16x128xf32, #tpu.memory_space<vmem_shared>>)
        tpu.yield
      }) : () -> ()
    } else {
    }
    %scan3A_23 = arith.constant 0 : i32
    %scan3A_24 = arith.constant 0 : i32
    %scan3A_25 = arith.constant 128 : i32
    %scan3A_26 = arith.addi %scan3A_24, %scan3A_25 : i32
    %scan3A_27 = arith.constant 1 : i32
    scf.for %scan3A_55 = %scan3A_24 to %scan3A_26 step %scan3A_27  : i32 {
      %swap3A = arith.index_cast %scan3A_55 : i32 to index
      %swap3A_56 = arith.constant 0 : index
      %swap3A_57 = tpu.vector_load %arg5[%swap3A, %swap3A_56] {strides = array<i32>} : memref<128x128xf32, #tpu.memory_space<vmem>>, vector<1x16xf32>,
      %swap3A_58 = vector.shape_cast %swap3A_57 : vector<1x16xf32> to vector<16xf32>
      %swap3A_59 = vector.shape_cast %broadcast_in_dim3A_3 : vector<16xf32> to vector<1x16xf32>
      tpu.vector_store %arg5[%swap3A, %swap3A_56], %swap3A_59 {strides = array<i32>} : memref<128x128xf32, #tpu.memory_space<vmem>>, vector<1x16xf32>,
      %swap3A_60 = arith.index_cast %scan3A_55 : i32 to index
      %swap3A_61 = arith.constant 16 : index
      %swap3A_62 = tpu.vector_load %arg5[%swap3A_60, %swap3A_61] {strides = array<i32>} : memref<128x128xf32, #tpu.memory_space<vmem>>, vector<1x16xf32>,
      %swap3A_63 = vector.shape_cast %swap3A_62 : vector<1x16xf32> to vector<16xf32>
      %swap3A_64 = vector.shape_cast %broadcast_in_dim3A_3 : vector<16xf32> to vector<1x16xf32>
      tpu.vector_store %arg5[%swap3A_60, %swap3A_61], %swap3A_64 {strides = array<i32>} : memref<128x128xf32, #tpu.memory_space<vmem>>, vector<1x16xf32>,
      %swap3A_65 = arith.index_cast %scan3A_55 : i32 to index
      %swap3A_66 = arith.constant 32 : index
      %swap3A_67 = tpu.vector_load %arg5[%swap3A_65, %swap3A_66] {strides = array<i32>} : memref<128x128xf32, #tpu.memory_space<vmem>>, vector<1x16xf32>,
      %swap3A_68 = vector.shape_cast %swap3A_67 : vector<1x16xf32> to vector<16xf32>
      %swap3A_69 = vector.shape_cast %broadcast_in_dim3A_3 : vector<16xf32> to vector<1x16xf32>
      tpu.vector_store %arg5[%swap3A_65, %swap3A_66], %swap3A_69 {strides = array<i32>} : memref<128x128xf32, #tpu.memory_space<vmem>>, vector<1x16xf32>,
      %swap3A_70 = arith.index_cast %scan3A_55 : i32 to index
      %swap3A_71 = arith.constant 48 : index
      %swap3A_72 = tpu.vector_load %arg5[%swap3A_70, %swap3A_71] {strides = array<i32>} : memref<128x128xf32, #tpu.memory_space<vmem>>, vector<1x16xf32>,
      %swap3A_73 = vector.shape_cast %swap3A_72 : vector<1x16xf32> to vector<16xf32>
      %swap3A_74 = vector.shape_cast %broadcast_in_dim3A_3 : vector<16xf32> to vector<1x16xf32>
      tpu.vector_store %arg5[%swap3A_70, %swap3A_71], %swap3A_74 {strides = array<i32>} : memref<128x128xf32, #tpu.memory_space<vmem>>, vector<1x16xf32>,
      %swap3A_75 = arith.index_cast %scan3A_55 : i32 to index
      %swap3A_76 = arith.constant 64 : index
      %swap3A_77 = tpu.vector_load %arg5[%swap3A_75, %swap3A_76] {strides = array<i32>} : memref<128x128xf32, #tpu.memory_space<vmem>>, vector<1x16xf32>,
      %swap3A_78 = vector.shape_cast %swap3A_77 : vector<1x16xf32> to vector<16xf32>
      %swap3A_79 = vector.shape_cast %broadcast_in_dim3A_3 : vector<16xf32> to vector<1x16xf32>
      tpu.vector_store %arg5[%swap3A_75, %swap3A_76], %swap3A_79 {strides = array<i32>} : memref<128x128xf32, #tpu.memory_space<vmem>>, vector<1x16xf32>,
      %swap3A_80 = arith.index_cast %scan3A_55 : i32 to index
      %swap3A_81 = arith.constant 80 : index
      %swap3A_82 = tpu.vector_load %arg5[%swap3A_80, %swap3A_81] {strides = array<i32>} : memref<128x128xf32, #tpu.memory_space<vmem>>, vector<1x16xf32>,
      %swap3A_83 = vector.shape_cast %swap3A_82 : vector<1x16xf32> to vector<16xf32>
      %swap3A_84 = vector.shape_cast %broadcast_in_dim3A_3 : vector<16xf32> to vector<1x16xf32>
      tpu.vector_store %arg5[%swap3A_80, %swap3A_81], %swap3A_84 {strides = array<i32>} : memref<128x128xf32, #tpu.memory_space<vmem>>, vector<1x16xf32>,
      %swap3A_85 = arith.index_cast %scan3A_55 : i32 to index
      %swap3A_86 = arith.constant 96 : index
      %swap3A_87 = tpu.vector_load %arg5[%swap3A_85, %swap3A_86] {strides = array<i32>} : memref<128x128xf32, #tpu.memory_space<vmem>>, vector<1x16xf32>,
      %swap3A_88 = vector.shape_cast %swap3A_87 : vector<1x16xf32> to vector<16xf32>
      %swap3A_89 = vector.shape_cast %broadcast_in_dim3A_3 : vector<16xf32> to vector<1x16xf32>
      tpu.vector_store %arg5[%swap3A_85, %swap3A_86], %swap3A_89 {strides = array<i32>} : memref<128x128xf32, #tpu.memory_space<vmem>>, vector<1x16xf32>,
      %swap3A_90 = arith.index_cast %scan3A_55 : i32 to index
      %swap3A_91 = arith.constant 112 : index
      %swap3A_92 = tpu.vector_load %arg5[%swap3A_90, %swap3A_91] {strides = array<i32>} : memref<128x128xf32, #tpu.memory_space<vmem>>, vector<1x16xf32>,
      %swap3A_93 = vector.shape_cast %swap3A_92 : vector<1x16xf32> to vector<16xf32>
      %swap3A_94 = vector.shape_cast %broadcast_in_dim3A_3 : vector<16xf32> to vector<1x16xf32>
      tpu.vector_store %arg5[%swap3A_90, %swap3A_91], %swap3A_94 {strides = array<i32>} : memref<128x128xf32, #tpu.memory_space<vmem>>, vector<1x16xf32>,
    }
    %scan3A_28 = arith.constant 128 : i32
    %barrier3A = arith.constant 0 : index
    tpu.barrier barrier_id(%barrier3A)
    %lt3A = arith.constant 4 : i32
    %lt3A_29 = arith.cmpi slt, %add3A, %lt3A : i32
    %jit3A = arith.constant 1 : i32
    %jit3A_30 = arith.constant 0 : i32
    %select_n3A = arith.select %lt3A_29, %jit3A, %jit3A_30 : i32
    %add3A_31 = arith.constant 78 : i32
    %add3A_32 = arith.addi %add3A_31, %select_n3A : i32
    %while3A = arith.constant 0 : i32
    %while3A_33 = arith.constant 0 : i32
    %while3A_34 = arith.subi %add3A_32, %while3A_33 : i32
    %while3A_35 = arith.addi %while3A_33, %while3A_34 : i32
    %while3A_36 = arith.constant 1 : i32
    %while3A_37 = arith.divsi %while3A_34, %while3A_36 : i32
    %while3A_38 = arith.muli %while3A_37, %while3A_36 : i32
    %while3A_39 = arith.addi %while3A_33, %while3A_38 : i32
    %while3A_40 = arith.constant 1 : i32
    scf.for %while3A_55 = %while3A_33 to %while3A_39 step %while3A_40  : i32 {
      %mul3A_56 = arith.constant 32 : i32
      %mul3A_57 = arith.muli %while3A_55, %mul3A_56 : i32
      %add3A_58 = arith.addi %mul3A_57, %add3A : i32
      %mul3A_59 = arith.constant 128 : i32
      %mul3A_60 = arith.muli %add3A_58, %mul3A_59 : i32
      "tpu.region"() ({
        %run_scoped3A = tpu.sem_alloc : memref<!tpu.dma_semaphore, #tpu.memory_space<semaphore_mem>>
        %dma_start3A = tpu.memref_slice %arg2[%mul3A_60] : memref<320000xi32, #tpu.memory_space<hbm>> -> memref<128xi32, #tpu.memory_space<hbm>>
        %dma_start3A_61 = tpu.memref_slice %arg2[%mul3A_60] : memref<320000xi32, #tpu.memory_space<hbm>> -> memref<128xi32, #tpu.memory_space<hbm>>
        tpu.enqueue_dma source(%dma_start3A_61 : memref<128xi32, #tpu.memory_space<hbm>>) target(%arg4 : memref<128xi32, #tpu.memory_space<vmem>>) target_semaphore(%run_scoped3A : memref<!tpu.dma_semaphore, #tpu.memory_space<semaphore_mem>>)
        %dma_wait3A = tpu.memref_slice %arg2[%mul3A_60] : memref<320000xi32, #tpu.memory_space<hbm>> -> memref<128xi32, #tpu.memory_space<hbm>>
        %dma_wait3A_62 = tpu.memref_slice %arg2[%mul3A_60] : memref<320000xi32, #tpu.memory_space<hbm>> -> memref<128xi32, #tpu.memory_space<hbm>>
        tpu.wait_dma2 semaphore(%run_scoped3A : memref<!tpu.dma_semaphore, #tpu.memory_space<semaphore_mem>>) src(%dma_wait3A_62 : memref<128xi32, #tpu.memory_space<hbm>>) dst(%arg4 : memref<128xi32, #tpu.memory_space<vmem>>)
        tpu.yield
      }) : () -> ()
      "tpu.region"() ({
        %run_scoped3A = tpu.sem_alloc : memref<!tpu.dma_semaphore, #tpu.memory_space<semaphore_mem>>
        %dma_start3A = arith.constant 0 : i32
        %dma_start3A_61 = arith.constant 0 : i32
        %dma_start3A_62 = tpu.memref_slice %arg6[%dma_start3A, %dma_start3A_61] : memref<10000x128xf32, #tpu.memory_space<vmem_shared>> -> memref<10000x128xf32, #tpu.memory_space<vmem_shared>>
        tpu.enqueue_indirect_dma source(%arg5 : memref<128x128xf32, #tpu.memory_space<vmem>>) target(%dma_start3A_62 : memref<10000x128xf32, #tpu.memory_space<vmem_shared>>) offsets(%arg4 : memref<128xi32, #tpu.memory_space<vmem>>) semaphore(%run_scoped3A : memref<!tpu.dma_semaphore, #tpu.memory_space<semaphore_mem>>) {add = true}
        %dma_wait3A = arith.constant 0 : i32
        %dma_wait3A_63 = arith.constant 0 : i32
        %dma_wait3A_64 = tpu.memref_slice %arg6[%dma_wait3A, %dma_wait3A_63] : memref<10000x128xf32, #tpu.memory_space<vmem_shared>> -> memref<10000x128xf32, #tpu.memory_space<vmem_shared>>
        tpu.wait_indirect_dma semaphore(%run_scoped3A : memref<!tpu.dma_semaphore, #tpu.memory_space<semaphore_mem>>) src(%arg5 : memref<128x128xf32, #tpu.memory_space<vmem>>) dst(%dma_wait3A_64 : memref<10000x128xf32, #tpu.memory_space<vmem_shared>>)
        tpu.yield
      }) : () -> ()
    }
    %while3A_41 = arith.constant 1 : i32
    scf.for %while3A_55 = %while3A_39 to %while3A_35 step %while3A_41  : i32 {
      %mul3A_56 = arith.constant 32 : i32
      %mul3A_57 = arith.muli %while3A_55, %mul3A_56 : i32
      %add3A_58 = arith.addi %mul3A_57, %add3A : i32
      %mul3A_59 = arith.constant 128 : i32
      %mul3A_60 = arith.muli %add3A_58, %mul3A_59 : i32
      "tpu.region"() ({
        %run_scoped3A = tpu.sem_alloc : memref<!tpu.dma_semaphore, #tpu.memory_space<semaphore_mem>>
        %dma_start3A = tpu.memref_slice %arg2[%mul3A_60] : memref<320000xi32, #tpu.memory_space<hbm>> -> memref<128xi32, #tpu.memory_space<hbm>>
        %dma_start3A_61 = tpu.memref_slice %arg2[%mul3A_60] : memref<320000xi32, #tpu.memory_space<hbm>> -> memref<128xi32, #tpu.memory_space<hbm>>
        tpu.enqueue_dma source(%dma_start3A_61 : memref<128xi32, #tpu.memory_space<hbm>>) target(%arg4 : memref<128xi32, #tpu.memory_space<vmem>>) target_semaphore(%run_scoped3A : memref<!tpu.dma_semaphore, #tpu.memory_space<semaphore_mem>>)
        %dma_wait3A = tpu.memref_slice %arg2[%mul3A_60] : memref<320000xi32, #tpu.memory_space<hbm>> -> memref<128xi32, #tpu.memory_space<hbm>>
        %dma_wait3A_62 = tpu.memref_slice %arg2[%mul3A_60] : memref<320000xi32, #tpu.memory_space<hbm>> -> memref<128xi32, #tpu.memory_space<hbm>>
        tpu.wait_dma2 semaphore(%run_scoped3A : memref<!tpu.dma_semaphore, #tpu.memory_space<semaphore_mem>>) src(%dma_wait3A_62 : memref<128xi32, #tpu.memory_space<hbm>>) dst(%arg4 : memref<128xi32, #tpu.memory_space<vmem>>)
        tpu.yield
      }) : () -> ()
      "tpu.region"() ({
        %run_scoped3A = tpu.sem_alloc : memref<!tpu.dma_semaphore, #tpu.memory_space<semaphore_mem>>
        %dma_start3A = arith.constant 0 : i32
        %dma_start3A_61 = arith.constant 0 : i32
        %dma_start3A_62 = tpu.memref_slice %arg6[%dma_start3A, %dma_start3A_61] : memref<10000x128xf32, #tpu.memory_space<vmem_shared>> -> memref<10000x128xf32, #tpu.memory_space<vmem_shared>>
        tpu.enqueue_indirect_dma source(%arg5 : memref<128x128xf32, #tpu.memory_space<vmem>>) target(%dma_start3A_62 : memref<10000x128xf32, #tpu.memory_space<vmem_shared>>) offsets(%arg4 : memref<128xi32, #tpu.memory_space<vmem>>) semaphore(%run_scoped3A : memref<!tpu.dma_semaphore, #tpu.memory_space<semaphore_mem>>) {add = true}
        %dma_wait3A = arith.constant 0 : i32
        %dma_wait3A_63 = arith.constant 0 : i32
        %dma_wait3A_64 = tpu.memref_slice %arg6[%dma_wait3A, %dma_wait3A_63] : memref<10000x128xf32, #tpu.memory_space<vmem_shared>> -> memref<10000x128xf32, #tpu.memory_space<vmem_shared>>
        tpu.wait_indirect_dma semaphore(%run_scoped3A : memref<!tpu.dma_semaphore, #tpu.memory_space<semaphore_mem>>) src(%arg5 : memref<128x128xf32, #tpu.memory_space<vmem>>) dst(%dma_wait3A_64 : memref<10000x128xf32, #tpu.memory_space<vmem_shared>>)
        tpu.yield
      }) : () -> ()
    }
    %barrier3A_42 = arith.constant 0 : index
    tpu.barrier barrier_id(%barrier3A_42)
    %mul3A_43 = arith.constant 10000 : i32
    %mul3A_44 = arith.muli %arg0, %mul3A_43 : i32
    %mul3A_45 = arith.constant 624 : i32
    %mul3A_46 = arith.muli %arg1, %mul3A_45 : i32
    %add3A_47 = arith.addi %mul3A_44, %mul3A_46 : i32
    %mul3A_48 = arith.constant 624 : i32
    %mul3A_49 = arith.muli %arg1, %mul3A_48 : i32
    "tpu.region"() ({
      %run_scoped3A = tpu.sem_alloc : memref<!tpu.dma_semaphore, #tpu.memory_space<semaphore_mem>>
      %dma_start3A = arith.constant 0 : i32
      %dma_start3A_55 = tpu.memref_slice %arg3[%add3A_47, %dma_start3A] : memref<20000x128xf32, #tpu.memory_space<hbm>> -> memref<624x128xf32, #tpu.memory_space<hbm>>
      %dma_start3A_56 = arith.constant 0 : i32
      %dma_start3A_57 = tpu.memref_slice %arg6[%mul3A_49, %dma_start3A_56] : memref<10000x128xf32, #tpu.memory_space<vmem_shared>> -> memref<624x128xf32, #tpu.memory_space<vmem_shared>>
      tpu.enqueue_dma source(%dma_start3A_57 : memref<624x128xf32, #tpu.memory_space<vmem_shared>>) target(%dma_start3A_55 : memref<624x128xf32, #tpu.memory_space<hbm>>) target_semaphore(%run_scoped3A : memref<!tpu.dma_semaphore, #tpu.memory_space<semaphore_mem>>)
      %dma_wait3A = arith.constant 0 : i32
      %dma_wait3A_58 = tpu.memref_slice %arg3[%add3A_47, %dma_wait3A] : memref<20000x128xf32, #tpu.memory_space<hbm>> -> memref<624x128xf32, #tpu.memory_space<hbm>>
      %dma_wait3A_59 = arith.constant 0 : i32
      %dma_wait3A_60 = tpu.memref_slice %arg6[%mul3A_49, %dma_wait3A_59] : memref<10000x128xf32, #tpu.memory_space<vmem_shared>> -> memref<624x128xf32, #tpu.memory_space<vmem_shared>>
      tpu.wait_dma2 semaphore(%run_scoped3A : memref<!tpu.dma_semaphore, #tpu.memory_space<semaphore_mem>>) src(%dma_wait3A_60 : memref<624x128xf32, #tpu.memory_space<vmem_shared>>) dst(%dma_wait3A_58 : memref<624x128xf32, #tpu.memory_space<hbm>>)
      tpu.yield
    }) : () -> ()
    %eq3A_50 = arith.constant 15 : i32
    %eq3A_51 = arith.cmpi eq, %arg1, %eq3A_50 : i32
    %convert_element_type3A_52 = arith.extui %eq3A_51 : i1 to i32
    %cond3A_53 = arith.constant 0 : i32
    %cond3A_54 = arith.cmpi ne, %convert_element_type3A_52, %cond3A_53 : i32
    scf.if %cond3A_54 {
      %mul3A_55 = arith.constant 10000 : i32
      %mul3A_56 = arith.muli %arg0, %mul3A_55 : i32
      %add3A_57 = arith.constant 9984 : i32
      %add3A_58 = arith.addi %mul3A_56, %add3A_57 : i32
      "tpu.region"() ({
        %run_scoped3A = tpu.sem_alloc : memref<!tpu.dma_semaphore, #tpu.memory_space<semaphore_mem>>
        %dma_start3A = arith.constant 0 : i32
        %dma_start3A_59 = tpu.memref_slice %arg3[%add3A_58, %dma_start3A] : memref<20000x128xf32, #tpu.memory_space<hbm>> -> memref<16x128xf32, #tpu.memory_space<hbm>>
        %dma_start3A_60 = arith.constant 9984 : i32
        %dma_start3A_61 = arith.constant 0 : i32
        %dma_start3A_62 = tpu.memref_slice %arg6[%dma_start3A_60, %dma_start3A_61] : memref<10000x128xf32, #tpu.memory_space<vmem_shared>> -> memref<16x128xf32, #tpu.memory_space<vmem_shared>>
        tpu.enqueue_dma source(%dma_start3A_62 : memref<16x128xf32, #tpu.memory_space<vmem_shared>>) target(%dma_start3A_59 : memref<16x128xf32, #tpu.memory_space<hbm>>) target_semaphore(%run_scoped3A : memref<!tpu.dma_semaphore, #tpu.memory_space<semaphore_mem>>)
        %dma_wait3A = arith.constant 0 : i32
        %dma_wait3A_63 = tpu.memref_slice %arg3[%add3A_58, %dma_wait3A] : memref<20000x128xf32, #tpu.memory_space<hbm>> -> memref<16x128xf32, #tpu.memory_space<hbm>>
        %dma_wait3A_64 = arith.constant 9984 : i32
        %dma_wait3A_65 = arith.constant 0 : i32
        %dma_wait3A_66 = tpu.memref_slice %arg6[%dma_wait3A_64, %dma_wait3A_65] : memref<10000x128xf32, #tpu.memory_space<vmem_shared>> -> memref<16x128xf32, #tpu.memory_space<vmem_shared>>
        tpu.wait_dma2 semaphore(%run_scoped3A : memref<!tpu.dma_semaphore, #tpu.memory_space<semaphore_mem>>) src(%dma_wait3A_66 : memref<16x128xf32, #tpu.memory_space<vmem_shared>>) dst(%dma_wait3A_63 : memref<16x128xf32, #tpu.memory_space<hbm>>)
        tpu.yield
      }) : () -> ()
    } else {
    }
    return
  }
}

#map = affine_map<(d0, d1) -> (0, 0)>
#map1 = affine_map<(d0, d1) -> (0)>
module attributes {stable_mosaic.version = 14 : i64} {
  func.func @_sc_agg_body(%arg0: i32, %arg1: i32, %arg2: memref<10000x128xf32, #tpu.memory_space<hbm>>, %arg3: memref<320000xi32, #tpu.memory_space<hbm>>, %arg4: memref<320000xi32, #tpu.memory_space<hbm>>, %arg5: memref<20000x128xf32, #tpu.memory_space<hbm>>, %arg6: memref<128xi32, #tpu.memory_space<vmem>>, %arg7: memref<128xi32, #tpu.memory_space<vmem>>, %arg8: memref<128x128xf32, #tpu.memory_space<vmem>>, %arg9: memref<10000x128xf32, #tpu.memory_space<vmem_shared>>, %arg10: memref<!tpu.dma_semaphore, #tpu.memory_space<semaphore_mem>>) attributes {dimension_semantics = [#tpu.dimension_semantics<core_parallel>, #tpu.dimension_semantics<subcore_parallel>], iteration_bounds = array<i64: 2, 16>, scalar_prefetch = 0 : i64, scratch_operands = 5 : i64, tpu.core_type = #tpu.core_type<sc_vector_subcore>, window_params = [{transform_indices = #map}, {transform_indices = #map1}, {transform_indices = #map1}, {transform_indices = #map}]} {
    %mul3A = arith.constant 2 : i32
    %mul3A_0 = arith.muli %arg1, %mul3A : i32
    %add3A = arith.addi %mul3A_0, %arg0 : i32
    %broadcast_in_dim3A = arith.constant 0.000000e+00 : f32
    %broadcast_in_dim3A_1 = vector.broadcast %broadcast_in_dim3A : f32 to vector<16xf32>
    %scan3A = arith.constant 0 : i32
    %scan3A_2 = arith.constant 0 : i32
    %scan3A_3 = arith.constant 128 : i32
    %scan3A_4 = arith.addi %scan3A_2, %scan3A_3 : i32
    %scan3A_5 = arith.constant 1 : i32
    scf.for %scan3A_47 = %scan3A_2 to %scan3A_4 step %scan3A_5  : i32 {
      %swap3A = arith.index_cast %scan3A_47 : i32 to index
      %swap3A_48 = arith.constant 0 : index
      %swap3A_49 = tpu.vector_load %arg8[%swap3A, %swap3A_48] {strides = array<i32>} : memref<128x128xf32, #tpu.memory_space<vmem>>, vector<1x16xf32>,
      %swap3A_50 = vector.shape_cast %swap3A_49 : vector<1x16xf32> to vector<16xf32>
      %swap3A_51 = vector.shape_cast %broadcast_in_dim3A_1 : vector<16xf32> to vector<1x16xf32>
      tpu.vector_store %arg8[%swap3A, %swap3A_48], %swap3A_51 {strides = array<i32>} : memref<128x128xf32, #tpu.memory_space<vmem>>, vector<1x16xf32>,
      %swap3A_52 = arith.index_cast %scan3A_47 : i32 to index
      %swap3A_53 = arith.constant 16 : index
      %swap3A_54 = tpu.vector_load %arg8[%swap3A_52, %swap3A_53] {strides = array<i32>} : memref<128x128xf32, #tpu.memory_space<vmem>>, vector<1x16xf32>,
      %swap3A_55 = vector.shape_cast %swap3A_54 : vector<1x16xf32> to vector<16xf32>
      %swap3A_56 = vector.shape_cast %broadcast_in_dim3A_1 : vector<16xf32> to vector<1x16xf32>
      tpu.vector_store %arg8[%swap3A_52, %swap3A_53], %swap3A_56 {strides = array<i32>} : memref<128x128xf32, #tpu.memory_space<vmem>>, vector<1x16xf32>,
      %swap3A_57 = arith.index_cast %scan3A_47 : i32 to index
      %swap3A_58 = arith.constant 32 : index
      %swap3A_59 = tpu.vector_load %arg8[%swap3A_57, %swap3A_58] {strides = array<i32>} : memref<128x128xf32, #tpu.memory_space<vmem>>, vector<1x16xf32>,
      %swap3A_60 = vector.shape_cast %swap3A_59 : vector<1x16xf32> to vector<16xf32>
      %swap3A_61 = vector.shape_cast %broadcast_in_dim3A_1 : vector<16xf32> to vector<1x16xf32>
      tpu.vector_store %arg8[%swap3A_57, %swap3A_58], %swap3A_61 {strides = array<i32>} : memref<128x128xf32, #tpu.memory_space<vmem>>, vector<1x16xf32>,
      %swap3A_62 = arith.index_cast %scan3A_47 : i32 to index
      %swap3A_63 = arith.constant 48 : index
      %swap3A_64 = tpu.vector_load %arg8[%swap3A_62, %swap3A_63] {strides = array<i32>} : memref<128x128xf32, #tpu.memory_space<vmem>>, vector<1x16xf32>,
      %swap3A_65 = vector.shape_cast %swap3A_64 : vector<1x16xf32> to vector<16xf32>
      %swap3A_66 = vector.shape_cast %broadcast_in_dim3A_1 : vector<16xf32> to vector<1x16xf32>
      tpu.vector_store %arg8[%swap3A_62, %swap3A_63], %swap3A_66 {strides = array<i32>} : memref<128x128xf32, #tpu.memory_space<vmem>>, vector<1x16xf32>,
      %swap3A_67 = arith.index_cast %scan3A_47 : i32 to index
      %swap3A_68 = arith.constant 64 : index
      %swap3A_69 = tpu.vector_load %arg8[%swap3A_67, %swap3A_68] {strides = array<i32>} : memref<128x128xf32, #tpu.memory_space<vmem>>, vector<1x16xf32>,
      %swap3A_70 = vector.shape_cast %swap3A_69 : vector<1x16xf32> to vector<16xf32>
      %swap3A_71 = vector.shape_cast %broadcast_in_dim3A_1 : vector<16xf32> to vector<1x16xf32>
      tpu.vector_store %arg8[%swap3A_67, %swap3A_68], %swap3A_71 {strides = array<i32>} : memref<128x128xf32, #tpu.memory_space<vmem>>, vector<1x16xf32>,
      %swap3A_72 = arith.index_cast %scan3A_47 : i32 to index
      %swap3A_73 = arith.constant 80 : index
      %swap3A_74 = tpu.vector_load %arg8[%swap3A_72, %swap3A_73] {strides = array<i32>} : memref<128x128xf32, #tpu.memory_space<vmem>>, vector<1x16xf32>,
      %swap3A_75 = vector.shape_cast %swap3A_74 : vector<1x16xf32> to vector<16xf32>
      %swap3A_76 = vector.shape_cast %broadcast_in_dim3A_1 : vector<16xf32> to vector<1x16xf32>
      tpu.vector_store %arg8[%swap3A_72, %swap3A_73], %swap3A_76 {strides = array<i32>} : memref<128x128xf32, #tpu.memory_space<vmem>>, vector<1x16xf32>,
      %swap3A_77 = arith.index_cast %scan3A_47 : i32 to index
      %swap3A_78 = arith.constant 96 : index
      %swap3A_79 = tpu.vector_load %arg8[%swap3A_77, %swap3A_78] {strides = array<i32>} : memref<128x128xf32, #tpu.memory_space<vmem>>, vector<1x16xf32>,
      %swap3A_80 = vector.shape_cast %swap3A_79 : vector<1x16xf32> to vector<16xf32>
      %swap3A_81 = vector.shape_cast %broadcast_in_dim3A_1 : vector<16xf32> to vector<1x16xf32>
      tpu.vector_store %arg8[%swap3A_77, %swap3A_78], %swap3A_81 {strides = array<i32>} : memref<128x128xf32, #tpu.memory_space<vmem>>, vector<1x16xf32>,
      %swap3A_82 = arith.index_cast %scan3A_47 : i32 to index
      %swap3A_83 = arith.constant 112 : index
      %swap3A_84 = tpu.vector_load %arg8[%swap3A_82, %swap3A_83] {strides = array<i32>} : memref<128x128xf32, #tpu.memory_space<vmem>>, vector<1x16xf32>,
      %swap3A_85 = vector.shape_cast %swap3A_84 : vector<1x16xf32> to vector<16xf32>
      %swap3A_86 = vector.shape_cast %broadcast_in_dim3A_1 : vector<16xf32> to vector<1x16xf32>
      tpu.vector_store %arg8[%swap3A_82, %swap3A_83], %swap3A_86 {strides = array<i32>} : memref<128x128xf32, #tpu.memory_space<vmem>>, vector<1x16xf32>,
    }
    %scan3A_6 = arith.constant 128 : i32
    %mul3A_7 = arith.constant 624 : i32
    %mul3A_8 = arith.muli %arg1, %mul3A_7 : i32
    %add3A_9 = arith.constant 0 : i32
    %add3A_10 = arith.addi %mul3A_8, %add3A_9 : i32
    "tpu.region"() ({
      %run_scoped3A = tpu.sem_alloc : memref<!tpu.dma_semaphore, #tpu.memory_space<semaphore_mem>>
      %dma_start3A = arith.constant 0 : i32
      %dma_start3A_47 = tpu.memref_slice %arg9[%add3A_10, %dma_start3A] : memref<10000x128xf32, #tpu.memory_space<vmem_shared>> -> memref<128x128xf32, #tpu.memory_space<vmem_shared>>
      %dma_start3A_48 = arith.constant 0 : i32
      %dma_start3A_49 = tpu.memref_slice %arg9[%add3A_10, %dma_start3A_48] : memref<10000x128xf32, #tpu.memory_space<vmem_shared>> -> memref<128x128xf32, #tpu.memory_space<vmem_shared>>
      tpu.enqueue_dma source(%arg8 : memref<128x128xf32, #tpu.memory_space<vmem>>) target(%dma_start3A_49 : memref<128x128xf32, #tpu.memory_space<vmem_shared>>) target_semaphore(%run_scoped3A : memref<!tpu.dma_semaphore, #tpu.memory_space<semaphore_mem>>)
      %dma_wait3A = arith.constant 0 : i32
      %dma_wait3A_50 = tpu.memref_slice %arg9[%add3A_10, %dma_wait3A] : memref<10000x128xf32, #tpu.memory_space<vmem_shared>> -> memref<128x128xf32, #tpu.memory_space<vmem_shared>>
      %dma_wait3A_51 = arith.constant 0 : i32
      %dma_wait3A_52 = tpu.memref_slice %arg9[%add3A_10, %dma_wait3A_51] : memref<10000x128xf32, #tpu.memory_space<vmem_shared>> -> memref<128x128xf32, #tpu.memory_space<vmem_shared>>
      tpu.wait_dma2 semaphore(%run_scoped3A : memref<!tpu.dma_semaphore, #tpu.memory_space<semaphore_mem>>) src(%arg8 : memref<128x128xf32, #tpu.memory_space<vmem>>) dst(%dma_wait3A_52 : memref<128x128xf32, #tpu.memory_space<vmem_shared>>)
      tpu.yield
    }) : () -> ()
    %add3A_11 = arith.constant 128 : i32
    %add3A_12 = arith.addi %mul3A_8, %add3A_11 : i32
    "tpu.region"() ({
      %run_scoped3A = tpu.sem_alloc : memref<!tpu.dma_semaphore, #tpu.memory_space<semaphore_mem>>
      %dma_start3A = arith.constant 0 : i32
      %dma_start3A_47 = tpu.memref_slice %arg9[%add3A_12, %dma_start3A] : memref<10000x128xf32, #tpu.memory_space<vmem_shared>> -> memref<128x128xf32, #tpu.memory_space<vmem_shared>>
      %dma_start3A_48 = arith.constant 0 : i32
      %dma_start3A_49 = tpu.memref_slice %arg9[%add3A_12, %dma_start3A_48] : memref<10000x128xf32, #tpu.memory_space<vmem_shared>> -> memref<128x128xf32, #tpu.memory_space<vmem_shared>>
      tpu.enqueue_dma source(%arg8 : memref<128x128xf32, #tpu.memory_space<vmem>>) target(%dma_start3A_49 : memref<128x128xf32, #tpu.memory_space<vmem_shared>>) target_semaphore(%run_scoped3A : memref<!tpu.dma_semaphore, #tpu.memory_space<semaphore_mem>>)
      %dma_wait3A = arith.constant 0 : i32
      %dma_wait3A_50 = tpu.memref_slice %arg9[%add3A_12, %dma_wait3A] : memref<10000x128xf32, #tpu.memory_space<vmem_shared>> -> memref<128x128xf32, #tpu.memory_space<vmem_shared>>
      %dma_wait3A_51 = arith.constant 0 : i32
      %dma_wait3A_52 = tpu.memref_slice %arg9[%add3A_12, %dma_wait3A_51] : memref<10000x128xf32, #tpu.memory_space<vmem_shared>> -> memref<128x128xf32, #tpu.memory_space<vmem_shared>>
      tpu.wait_dma2 semaphore(%run_scoped3A : memref<!tpu.dma_semaphore, #tpu.memory_space<semaphore_mem>>) src(%arg8 : memref<128x128xf32, #tpu.memory_space<vmem>>) dst(%dma_wait3A_52 : memref<128x128xf32, #tpu.memory_space<vmem_shared>>)
      tpu.yield
    }) : () -> ()
    %add3A_13 = arith.constant 256 : i32
    %add3A_14 = arith.addi %mul3A_8, %add3A_13 : i32
    "tpu.region"() ({
      %run_scoped3A = tpu.sem_alloc : memref<!tpu.dma_semaphore, #tpu.memory_space<semaphore_mem>>
      %dma_start3A = arith.constant 0 : i32
      %dma_start3A_47 = tpu.memref_slice %arg9[%add3A_14, %dma_start3A] : memref<10000x128xf32, #tpu.memory_space<vmem_shared>> -> memref<128x128xf32, #tpu.memory_space<vmem_shared>>
      %dma_start3A_48 = arith.constant 0 : i32
      %dma_start3A_49 = tpu.memref_slice %arg9[%add3A_14, %dma_start3A_48] : memref<10000x128xf32, #tpu.memory_space<vmem_shared>> -> memref<128x128xf32, #tpu.memory_space<vmem_shared>>
      tpu.enqueue_dma source(%arg8 : memref<128x128xf32, #tpu.memory_space<vmem>>) target(%dma_start3A_49 : memref<128x128xf32, #tpu.memory_space<vmem_shared>>) target_semaphore(%run_scoped3A : memref<!tpu.dma_semaphore, #tpu.memory_space<semaphore_mem>>)
      %dma_wait3A = arith.constant 0 : i32
      %dma_wait3A_50 = tpu.memref_slice %arg9[%add3A_14, %dma_wait3A] : memref<10000x128xf32, #tpu.memory_space<vmem_shared>> -> memref<128x128xf32, #tpu.memory_space<vmem_shared>>
      %dma_wait3A_51 = arith.constant 0 : i32
      %dma_wait3A_52 = tpu.memref_slice %arg9[%add3A_14, %dma_wait3A_51] : memref<10000x128xf32, #tpu.memory_space<vmem_shared>> -> memref<128x128xf32, #tpu.memory_space<vmem_shared>>
      tpu.wait_dma2 semaphore(%run_scoped3A : memref<!tpu.dma_semaphore, #tpu.memory_space<semaphore_mem>>) src(%arg8 : memref<128x128xf32, #tpu.memory_space<vmem>>) dst(%dma_wait3A_52 : memref<128x128xf32, #tpu.memory_space<vmem_shared>>)
      tpu.yield
    }) : () -> ()
    %add3A_15 = arith.constant 384 : i32
    %add3A_16 = arith.addi %mul3A_8, %add3A_15 : i32
    "tpu.region"() ({
      %run_scoped3A = tpu.sem_alloc : memref<!tpu.dma_semaphore, #tpu.memory_space<semaphore_mem>>
      %dma_start3A = arith.constant 0 : i32
      %dma_start3A_47 = tpu.memref_slice %arg9[%add3A_16, %dma_start3A] : memref<10000x128xf32, #tpu.memory_space<vmem_shared>> -> memref<128x128xf32, #tpu.memory_space<vmem_shared>>
      %dma_start3A_48 = arith.constant 0 : i32
      %dma_start3A_49 = tpu.memref_slice %arg9[%add3A_16, %dma_start3A_48] : memref<10000x128xf32, #tpu.memory_space<vmem_shared>> -> memref<128x128xf32, #tpu.memory_space<vmem_shared>>
      tpu.enqueue_dma source(%arg8 : memref<128x128xf32, #tpu.memory_space<vmem>>) target(%dma_start3A_49 : memref<128x128xf32, #tpu.memory_space<vmem_shared>>) target_semaphore(%run_scoped3A : memref<!tpu.dma_semaphore, #tpu.memory_space<semaphore_mem>>)
      %dma_wait3A = arith.constant 0 : i32
      %dma_wait3A_50 = tpu.memref_slice %arg9[%add3A_16, %dma_wait3A] : memref<10000x128xf32, #tpu.memory_space<vmem_shared>> -> memref<128x128xf32, #tpu.memory_space<vmem_shared>>
      %dma_wait3A_51 = arith.constant 0 : i32
      %dma_wait3A_52 = tpu.memref_slice %arg9[%add3A_16, %dma_wait3A_51] : memref<10000x128xf32, #tpu.memory_space<vmem_shared>> -> memref<128x128xf32, #tpu.memory_space<vmem_shared>>
      tpu.wait_dma2 semaphore(%run_scoped3A : memref<!tpu.dma_semaphore, #tpu.memory_space<semaphore_mem>>) src(%arg8 : memref<128x128xf32, #tpu.memory_space<vmem>>) dst(%dma_wait3A_52 : memref<128x128xf32, #tpu.memory_space<vmem_shared>>)
      tpu.yield
    }) : () -> ()
    %add3A_17 = arith.constant 512 : i32
    %add3A_18 = arith.addi %mul3A_8, %add3A_17 : i32
    "tpu.region"() ({
      %run_scoped3A = tpu.sem_alloc : memref<!tpu.dma_semaphore, #tpu.memory_space<semaphore_mem>>
      %dma_start3A = arith.constant 0 : i32
      %dma_start3A_47 = arith.constant 0 : i32
      %dma_start3A_48 = tpu.memref_slice %arg8[%dma_start3A, %dma_start3A_47] : memref<128x128xf32, #tpu.memory_space<vmem>> -> memref<112x128xf32, #tpu.memory_space<vmem>>
      %dma_start3A_49 = arith.constant 0 : i32
      %dma_start3A_50 = tpu.memref_slice %arg9[%add3A_18, %dma_start3A_49] : memref<10000x128xf32, #tpu.memory_space<vmem_shared>> -> memref<112x128xf32, #tpu.memory_space<vmem_shared>>
      %dma_start3A_51 = arith.constant 0 : i32
      %dma_start3A_52 = tpu.memref_slice %arg9[%add3A_18, %dma_start3A_51] : memref<10000x128xf32, #tpu.memory_space<vmem_shared>> -> memref<112x128xf32, #tpu.memory_space<vmem_shared>>
      %dma_start3A_53 = arith.constant 0 : i32
      %dma_start3A_54 = arith.constant 0 : i32
      %dma_start3A_55 = tpu.memref_slice %arg8[%dma_start3A_53, %dma_start3A_54] : memref<128x128xf32, #tpu.memory_space<vmem>> -> memref<112x128xf32, #tpu.memory_space<vmem>>
      tpu.enqueue_dma source(%dma_start3A_55 : memref<112x128xf32, #tpu.memory_space<vmem>>) target(%dma_start3A_52 : memref<112x128xf32, #tpu.memory_space<vmem_shared>>) target_semaphore(%run_scoped3A : memref<!tpu.dma_semaphore, #tpu.memory_space<semaphore_mem>>)
      %dma_wait3A = arith.constant 0 : i32
      %dma_wait3A_56 = arith.constant 0 : i32
      %dma_wait3A_57 = tpu.memref_slice %arg8[%dma_wait3A, %dma_wait3A_56] : memref<128x128xf32, #tpu.memory_space<vmem>> -> memref<112x128xf32, #tpu.memory_space<vmem>>
      %dma_wait3A_58 = arith.constant 0 : i32
      %dma_wait3A_59 = tpu.memref_slice %arg9[%add3A_18, %dma_wait3A_58] : memref<10000x128xf32, #tpu.memory_space<vmem_shared>> -> memref<112x128xf32, #tpu.memory_space<vmem_shared>>
      %dma_wait3A_60 = arith.constant 0 : i32
      %dma_wait3A_61 = tpu.memref_slice %arg9[%add3A_18, %dma_wait3A_60] : memref<10000x128xf32, #tpu.memory_space<vmem_shared>> -> memref<112x128xf32, #tpu.memory_space<vmem_shared>>
      %dma_wait3A_62 = arith.constant 0 : i32
      %dma_wait3A_63 = arith.constant 0 : i32
      %dma_wait3A_64 = tpu.memref_slice %arg8[%dma_wait3A_62, %dma_wait3A_63] : memref<128x128xf32, #tpu.memory_space<vmem>> -> memref<112x128xf32, #tpu.memory_space<vmem>>
      tpu.wait_dma2 semaphore(%run_scoped3A : memref<!tpu.dma_semaphore, #tpu.memory_space<semaphore_mem>>) src(%dma_wait3A_64 : memref<112x128xf32, #tpu.memory_space<vmem>>) dst(%dma_wait3A_61 : memref<112x128xf32, #tpu.memory_space<vmem_shared>>)
      tpu.yield
    }) : () -> ()
    %eq3A = arith.constant 15 : i32
    %eq3A_19 = arith.cmpi eq, %arg1, %eq3A : i32
    %convert_element_type3A = arith.extui %eq3A_19 : i1 to i32
    %cond3A = arith.constant 0 : i32
    %cond3A_20 = arith.cmpi ne, %convert_element_type3A, %cond3A : i32
    scf.if %cond3A_20 {
      "tpu.region"() ({
        %run_scoped3A = tpu.sem_alloc : memref<!tpu.dma_semaphore, #tpu.memory_space<semaphore_mem>>
        %dma_start3A = arith.constant 0 : i32
        %dma_start3A_47 = arith.constant 0 : i32
        %dma_start3A_48 = tpu.memref_slice %arg8[%dma_start3A, %dma_start3A_47] : memref<128x128xf32, #tpu.memory_space<vmem>> -> memref<16x128xf32, #tpu.memory_space<vmem>>
        %dma_start3A_49 = arith.constant 9984 : i32
        %dma_start3A_50 = arith.constant 0 : i32
        %dma_start3A_51 = tpu.memref_slice %arg9[%dma_start3A_49, %dma_start3A_50] : memref<10000x128xf32, #tpu.memory_space<vmem_shared>> -> memref<16x128xf32, #tpu.memory_space<vmem_shared>>
        %dma_start3A_52 = arith.constant 9984 : i32
        %dma_start3A_53 = arith.constant 0 : i32
        %dma_start3A_54 = tpu.memref_slice %arg9[%dma_start3A_52, %dma_start3A_53] : memref<10000x128xf32, #tpu.memory_space<vmem_shared>> -> memref<16x128xf32, #tpu.memory_space<vmem_shared>>
        %dma_start3A_55 = arith.constant 0 : i32
        %dma_start3A_56 = arith.constant 0 : i32
        %dma_start3A_57 = tpu.memref_slice %arg8[%dma_start3A_55, %dma_start3A_56] : memref<128x128xf32, #tpu.memory_space<vmem>> -> memref<16x128xf32, #tpu.memory_space<vmem>>
        tpu.enqueue_dma source(%dma_start3A_57 : memref<16x128xf32, #tpu.memory_space<vmem>>) target(%dma_start3A_54 : memref<16x128xf32, #tpu.memory_space<vmem_shared>>) target_semaphore(%run_scoped3A : memref<!tpu.dma_semaphore, #tpu.memory_space<semaphore_mem>>)
        %dma_wait3A = arith.constant 0 : i32
        %dma_wait3A_58 = arith.constant 0 : i32
        %dma_wait3A_59 = tpu.memref_slice %arg8[%dma_wait3A, %dma_wait3A_58] : memref<128x128xf32, #tpu.memory_space<vmem>> -> memref<16x128xf32, #tpu.memory_space<vmem>>
        %dma_wait3A_60 = arith.constant 9984 : i32
        %dma_wait3A_61 = arith.constant 0 : i32
        %dma_wait3A_62 = tpu.memref_slice %arg9[%dma_wait3A_60, %dma_wait3A_61] : memref<10000x128xf32, #tpu.memory_space<vmem_shared>> -> memref<16x128xf32, #tpu.memory_space<vmem_shared>>
        %dma_wait3A_63 = arith.constant 9984 : i32
        %dma_wait3A_64 = arith.constant 0 : i32
        %dma_wait3A_65 = tpu.memref_slice %arg9[%dma_wait3A_63, %dma_wait3A_64] : memref<10000x128xf32, #tpu.memory_space<vmem_shared>> -> memref<16x128xf32, #tpu.memory_space<vmem_shared>>
        %dma_wait3A_66 = arith.constant 0 : i32
        %dma_wait3A_67 = arith.constant 0 : i32
        %dma_wait3A_68 = tpu.memref_slice %arg8[%dma_wait3A_66, %dma_wait3A_67] : memref<128x128xf32, #tpu.memory_space<vmem>> -> memref<16x128xf32, #tpu.memory_space<vmem>>
        tpu.wait_dma2 semaphore(%run_scoped3A : memref<!tpu.dma_semaphore, #tpu.memory_space<semaphore_mem>>) src(%dma_wait3A_68 : memref<16x128xf32, #tpu.memory_space<vmem>>) dst(%dma_wait3A_65 : memref<16x128xf32, #tpu.memory_space<vmem_shared>>)
        tpu.yield
      }) : () -> ()
    } else {
    }
    %barrier3A = arith.constant 0 : index
    tpu.barrier barrier_id(%barrier3A)
    %lt3A = arith.constant 4 : i32
    %lt3A_21 = arith.cmpi slt, %add3A, %lt3A : i32
    %jit3A = arith.constant 1 : i32
    %jit3A_22 = arith.constant 0 : i32
    %select_n3A = arith.select %lt3A_21, %jit3A, %jit3A_22 : i32
    %add3A_23 = arith.constant 78 : i32
    %add3A_24 = arith.addi %add3A_23, %select_n3A : i32
    %while3A = arith.constant 0 : i32
    %while3A_25 = arith.constant 0 : i32
    %while3A_26 = arith.subi %add3A_24, %while3A_25 : i32
    %while3A_27 = arith.addi %while3A_25, %while3A_26 : i32
    %while3A_28 = arith.constant 1 : i32
    %while3A_29 = arith.divsi %while3A_26, %while3A_28 : i32
    %while3A_30 = arith.muli %while3A_29, %while3A_28 : i32
    %while3A_31 = arith.addi %while3A_25, %while3A_30 : i32
    %while3A_32 = arith.constant 1 : i32
    scf.for %while3A_47 = %while3A_25 to %while3A_31 step %while3A_32  : i32 {
      %mul3A_48 = arith.constant 32 : i32
      %mul3A_49 = arith.muli %while3A_47, %mul3A_48 : i32
      %add3A_50 = arith.addi %mul3A_49, %add3A : i32
      %mul3A_51 = arith.constant 128 : i32
      %mul3A_52 = arith.muli %add3A_50, %mul3A_51 : i32
      "tpu.region"() ({
        %run_scoped3A = tpu.sem_alloc : memref<!tpu.dma_semaphore, #tpu.memory_space<semaphore_mem>>
        %dma_start3A_57 = tpu.memref_slice %arg3[%mul3A_52] : memref<320000xi32, #tpu.memory_space<hbm>> -> memref<128xi32, #tpu.memory_space<hbm>>
        %dma_start3A_58 = tpu.memref_slice %arg3[%mul3A_52] : memref<320000xi32, #tpu.memory_space<hbm>> -> memref<128xi32, #tpu.memory_space<hbm>>
        tpu.enqueue_dma source(%dma_start3A_58 : memref<128xi32, #tpu.memory_space<hbm>>) target(%arg6 : memref<128xi32, #tpu.memory_space<vmem>>) target_semaphore(%run_scoped3A : memref<!tpu.dma_semaphore, #tpu.memory_space<semaphore_mem>>)
        %dma_wait3A_59 = tpu.memref_slice %arg3[%mul3A_52] : memref<320000xi32, #tpu.memory_space<hbm>> -> memref<128xi32, #tpu.memory_space<hbm>>
        %dma_wait3A_60 = tpu.memref_slice %arg3[%mul3A_52] : memref<320000xi32, #tpu.memory_space<hbm>> -> memref<128xi32, #tpu.memory_space<hbm>>
        tpu.wait_dma2 semaphore(%run_scoped3A : memref<!tpu.dma_semaphore, #tpu.memory_space<semaphore_mem>>) src(%dma_wait3A_60 : memref<128xi32, #tpu.memory_space<hbm>>) dst(%arg6 : memref<128xi32, #tpu.memory_space<vmem>>)
        tpu.yield
      }) : () -> ()
      "tpu.region"() ({
        %run_scoped3A = tpu.sem_alloc : memref<!tpu.dma_semaphore, #tpu.memory_space<semaphore_mem>>
        %dma_start3A_57 = tpu.memref_slice %arg4[%mul3A_52] : memref<320000xi32, #tpu.memory_space<hbm>> -> memref<128xi32, #tpu.memory_space<hbm>>
        %dma_start3A_58 = tpu.memref_slice %arg4[%mul3A_52] : memref<320000xi32, #tpu.memory_space<hbm>> -> memref<128xi32, #tpu.memory_space<hbm>>
        tpu.enqueue_dma source(%dma_start3A_58 : memref<128xi32, #tpu.memory_space<hbm>>) target(%arg7 : memref<128xi32, #tpu.memory_space<vmem>>) target_semaphore(%run_scoped3A : memref<!tpu.dma_semaphore, #tpu.memory_space<semaphore_mem>>)
        %dma_wait3A_59 = tpu.memref_slice %arg4[%mul3A_52] : memref<320000xi32, #tpu.memory_space<hbm>> -> memref<128xi32, #tpu.memory_space<hbm>>
        %dma_wait3A_60 = tpu.memref_slice %arg4[%mul3A_52] : memref<320000xi32, #tpu.memory_space<hbm>> -> memref<128xi32, #tpu.memory_space<hbm>>
        tpu.wait_dma2 semaphore(%run_scoped3A : memref<!tpu.dma_semaphore, #tpu.memory_space<semaphore_mem>>) src(%dma_wait3A_60 : memref<128xi32, #tpu.memory_space<hbm>>) dst(%arg7 : memref<128xi32, #tpu.memory_space<vmem>>)
        tpu.yield
      }) : () -> ()
      %dma_start3A = arith.constant 0 : i32
      %dma_start3A_53 = arith.constant 0 : i32
      %dma_start3A_54 = tpu.memref_slice %arg2[%dma_start3A, %dma_start3A_53] : memref<10000x128xf32, #tpu.memory_space<hbm>> -> memref<10000x128xf32, #tpu.memory_space<hbm>>
      tpu.enqueue_indirect_dma source(%dma_start3A_54 : memref<10000x128xf32, #tpu.memory_space<hbm>>) target(%arg8 : memref<128x128xf32, #tpu.memory_space<vmem>>) offsets(%arg6 : memref<128xi32, #tpu.memory_space<vmem>>) semaphore(%arg10 : memref<!tpu.dma_semaphore, #tpu.memory_space<semaphore_mem>>)
      %dma_wait3A = arith.constant 0 : i32
      %dma_wait3A_55 = arith.constant 0 : i32
      %dma_wait3A_56 = tpu.memref_slice %arg2[%dma_wait3A, %dma_wait3A_55] : memref<10000x128xf32, #tpu.memory_space<hbm>> -> memref<10000x128xf32, #tpu.memory_space<hbm>>
      tpu.wait_indirect_dma semaphore(%arg10 : memref<!tpu.dma_semaphore, #tpu.memory_space<semaphore_mem>>) src(%dma_wait3A_56 : memref<10000x128xf32, #tpu.memory_space<hbm>>) dst(%arg8 : memref<128x128xf32, #tpu.memory_space<vmem>>)
      "tpu.region"() ({
        %run_scoped3A = tpu.sem_alloc : memref<!tpu.dma_semaphore, #tpu.memory_space<semaphore_mem>>
        %dma_start3A_57 = arith.constant 0 : i32
        %dma_start3A_58 = arith.constant 0 : i32
        %dma_start3A_59 = tpu.memref_slice %arg9[%dma_start3A_57, %dma_start3A_58] : memref<10000x128xf32, #tpu.memory_space<vmem_shared>> -> memref<10000x128xf32, #tpu.memory_space<vmem_shared>>
        tpu.enqueue_indirect_dma source(%arg8 : memref<128x128xf32, #tpu.memory_space<vmem>>) target(%dma_start3A_59 : memref<10000x128xf32, #tpu.memory_space<vmem_shared>>) offsets(%arg7 : memref<128xi32, #tpu.memory_space<vmem>>) semaphore(%run_scoped3A : memref<!tpu.dma_semaphore, #tpu.memory_space<semaphore_mem>>) {add = true}
        %dma_wait3A_60 = arith.constant 0 : i32
        %dma_wait3A_61 = arith.constant 0 : i32
        %dma_wait3A_62 = tpu.memref_slice %arg9[%dma_wait3A_60, %dma_wait3A_61] : memref<10000x128xf32, #tpu.memory_space<vmem_shared>> -> memref<10000x128xf32, #tpu.memory_space<vmem_shared>>
        tpu.wait_indirect_dma semaphore(%run_scoped3A : memref<!tpu.dma_semaphore, #tpu.memory_space<semaphore_mem>>) src(%arg8 : memref<128x128xf32, #tpu.memory_space<vmem>>) dst(%dma_wait3A_62 : memref<10000x128xf32, #tpu.memory_space<vmem_shared>>)
        tpu.yield
      }) : () -> ()
    }
    %while3A_33 = arith.constant 1 : i32
    scf.for %while3A_47 = %while3A_31 to %while3A_27 step %while3A_33  : i32 {
      %mul3A_48 = arith.constant 32 : i32
      %mul3A_49 = arith.muli %while3A_47, %mul3A_48 : i32
      %add3A_50 = arith.addi %mul3A_49, %add3A : i32
      %mul3A_51 = arith.constant 128 : i32
      %mul3A_52 = arith.muli %add3A_50, %mul3A_51 : i32
      "tpu.region"() ({
        %run_scoped3A = tpu.sem_alloc : memref<!tpu.dma_semaphore, #tpu.memory_space<semaphore_mem>>
        %dma_start3A_57 = tpu.memref_slice %arg3[%mul3A_52] : memref<320000xi32, #tpu.memory_space<hbm>> -> memref<128xi32, #tpu.memory_space<hbm>>
        %dma_start3A_58 = tpu.memref_slice %arg3[%mul3A_52] : memref<320000xi32, #tpu.memory_space<hbm>> -> memref<128xi32, #tpu.memory_space<hbm>>
        tpu.enqueue_dma source(%dma_start3A_58 : memref<128xi32, #tpu.memory_space<hbm>>) target(%arg6 : memref<128xi32, #tpu.memory_space<vmem>>) target_semaphore(%run_scoped3A : memref<!tpu.dma_semaphore, #tpu.memory_space<semaphore_mem>>)
        %dma_wait3A_59 = tpu.memref_slice %arg3[%mul3A_52] : memref<320000xi32, #tpu.memory_space<hbm>> -> memref<128xi32, #tpu.memory_space<hbm>>
        %dma_wait3A_60 = tpu.memref_slice %arg3[%mul3A_52] : memref<320000xi32, #tpu.memory_space<hbm>> -> memref<128xi32, #tpu.memory_space<hbm>>
        tpu.wait_dma2 semaphore(%run_scoped3A : memref<!tpu.dma_semaphore, #tpu.memory_space<semaphore_mem>>) src(%dma_wait3A_60 : memref<128xi32, #tpu.memory_space<hbm>>) dst(%arg6 : memref<128xi32, #tpu.memory_space<vmem>>)
        tpu.yield
      }) : () -> ()
      "tpu.region"() ({
        %run_scoped3A = tpu.sem_alloc : memref<!tpu.dma_semaphore, #tpu.memory_space<semaphore_mem>>
        %dma_start3A_57 = tpu.memref_slice %arg4[%mul3A_52] : memref<320000xi32, #tpu.memory_space<hbm>> -> memref<128xi32, #tpu.memory_space<hbm>>
        %dma_start3A_58 = tpu.memref_slice %arg4[%mul3A_52] : memref<320000xi32, #tpu.memory_space<hbm>> -> memref<128xi32, #tpu.memory_space<hbm>>
        tpu.enqueue_dma source(%dma_start3A_58 : memref<128xi32, #tpu.memory_space<hbm>>) target(%arg7 : memref<128xi32, #tpu.memory_space<vmem>>) target_semaphore(%run_scoped3A : memref<!tpu.dma_semaphore, #tpu.memory_space<semaphore_mem>>)
        %dma_wait3A_59 = tpu.memref_slice %arg4[%mul3A_52] : memref<320000xi32, #tpu.memory_space<hbm>> -> memref<128xi32, #tpu.memory_space<hbm>>
        %dma_wait3A_60 = tpu.memref_slice %arg4[%mul3A_52] : memref<320000xi32, #tpu.memory_space<hbm>> -> memref<128xi32, #tpu.memory_space<hbm>>
        tpu.wait_dma2 semaphore(%run_scoped3A : memref<!tpu.dma_semaphore, #tpu.memory_space<semaphore_mem>>) src(%dma_wait3A_60 : memref<128xi32, #tpu.memory_space<hbm>>) dst(%arg7 : memref<128xi32, #tpu.memory_space<vmem>>)
        tpu.yield
      }) : () -> ()
      %dma_start3A = arith.constant 0 : i32
      %dma_start3A_53 = arith.constant 0 : i32
      %dma_start3A_54 = tpu.memref_slice %arg2[%dma_start3A, %dma_start3A_53] : memref<10000x128xf32, #tpu.memory_space<hbm>> -> memref<10000x128xf32, #tpu.memory_space<hbm>>
      tpu.enqueue_indirect_dma source(%dma_start3A_54 : memref<10000x128xf32, #tpu.memory_space<hbm>>) target(%arg8 : memref<128x128xf32, #tpu.memory_space<vmem>>) offsets(%arg6 : memref<128xi32, #tpu.memory_space<vmem>>) semaphore(%arg10 : memref<!tpu.dma_semaphore, #tpu.memory_space<semaphore_mem>>)
      %dma_wait3A = arith.constant 0 : i32
      %dma_wait3A_55 = arith.constant 0 : i32
      %dma_wait3A_56 = tpu.memref_slice %arg2[%dma_wait3A, %dma_wait3A_55] : memref<10000x128xf32, #tpu.memory_space<hbm>> -> memref<10000x128xf32, #tpu.memory_space<hbm>>
      tpu.wait_indirect_dma semaphore(%arg10 : memref<!tpu.dma_semaphore, #tpu.memory_space<semaphore_mem>>) src(%dma_wait3A_56 : memref<10000x128xf32, #tpu.memory_space<hbm>>) dst(%arg8 : memref<128x128xf32, #tpu.memory_space<vmem>>)
      "tpu.region"() ({
        %run_scoped3A = tpu.sem_alloc : memref<!tpu.dma_semaphore, #tpu.memory_space<semaphore_mem>>
        %dma_start3A_57 = arith.constant 0 : i32
        %dma_start3A_58 = arith.constant 0 : i32
        %dma_start3A_59 = tpu.memref_slice %arg9[%dma_start3A_57, %dma_start3A_58] : memref<10000x128xf32, #tpu.memory_space<vmem_shared>> -> memref<10000x128xf32, #tpu.memory_space<vmem_shared>>
        tpu.enqueue_indirect_dma source(%arg8 : memref<128x128xf32, #tpu.memory_space<vmem>>) target(%dma_start3A_59 : memref<10000x128xf32, #tpu.memory_space<vmem_shared>>) offsets(%arg7 : memref<128xi32, #tpu.memory_space<vmem>>) semaphore(%run_scoped3A : memref<!tpu.dma_semaphore, #tpu.memory_space<semaphore_mem>>) {add = true}
        %dma_wait3A_60 = arith.constant 0 : i32
        %dma_wait3A_61 = arith.constant 0 : i32
        %dma_wait3A_62 = tpu.memref_slice %arg9[%dma_wait3A_60, %dma_wait3A_61] : memref<10000x128xf32, #tpu.memory_space<vmem_shared>> -> memref<10000x128xf32, #tpu.memory_space<vmem_shared>>
        tpu.wait_indirect_dma semaphore(%run_scoped3A : memref<!tpu.dma_semaphore, #tpu.memory_space<semaphore_mem>>) src(%arg8 : memref<128x128xf32, #tpu.memory_space<vmem>>) dst(%dma_wait3A_62 : memref<10000x128xf32, #tpu.memory_space<vmem_shared>>)
        tpu.yield
      }) : () -> ()
    }
    %barrier3A_34 = arith.constant 0 : index
    tpu.barrier barrier_id(%barrier3A_34)
    %mul3A_35 = arith.constant 10000 : i32
    %mul3A_36 = arith.muli %arg0, %mul3A_35 : i32
    %mul3A_37 = arith.constant 624 : i32
    %mul3A_38 = arith.muli %arg1, %mul3A_37 : i32
    %add3A_39 = arith.addi %mul3A_36, %mul3A_38 : i32
    %mul3A_40 = arith.constant 624 : i32
    %mul3A_41 = arith.muli %arg1, %mul3A_40 : i32
    "tpu.region"() ({
      %run_scoped3A = tpu.sem_alloc : memref<!tpu.dma_semaphore, #tpu.memory_space<semaphore_mem>>
      %dma_start3A = arith.constant 0 : i32
      %dma_start3A_47 = tpu.memref_slice %arg5[%add3A_39, %dma_start3A] : memref<20000x128xf32, #tpu.memory_space<hbm>> -> memref<624x128xf32, #tpu.memory_space<hbm>>
      %dma_start3A_48 = arith.constant 0 : i32
      %dma_start3A_49 = tpu.memref_slice %arg9[%mul3A_41, %dma_start3A_48] : memref<10000x128xf32, #tpu.memory_space<vmem_shared>> -> memref<624x128xf32, #tpu.memory_space<vmem_shared>>
      tpu.enqueue_dma source(%dma_start3A_49 : memref<624x128xf32, #tpu.memory_space<vmem_shared>>) target(%dma_start3A_47 : memref<624x128xf32, #tpu.memory_space<hbm>>) target_semaphore(%run_scoped3A : memref<!tpu.dma_semaphore, #tpu.memory_space<semaphore_mem>>)
      %dma_wait3A = arith.constant 0 : i32
      %dma_wait3A_50 = tpu.memref_slice %arg5[%add3A_39, %dma_wait3A] : memref<20000x128xf32, #tpu.memory_space<hbm>> -> memref<624x128xf32, #tpu.memory_space<hbm>>
      %dma_wait3A_51 = arith.constant 0 : i32
      %dma_wait3A_52 = tpu.memref_slice %arg9[%mul3A_41, %dma_wait3A_51] : memref<10000x128xf32, #tpu.memory_space<vmem_shared>> -> memref<624x128xf32, #tpu.memory_space<vmem_shared>>
      tpu.wait_dma2 semaphore(%run_scoped3A : memref<!tpu.dma_semaphore, #tpu.memory_space<semaphore_mem>>) src(%dma_wait3A_52 : memref<624x128xf32, #tpu.memory_space<vmem_shared>>) dst(%dma_wait3A_50 : memref<624x128xf32, #tpu.memory_space<hbm>>)
      tpu.yield
    }) : () -> ()
    %eq3A_42 = arith.constant 15 : i32
    %eq3A_43 = arith.cmpi eq, %arg1, %eq3A_42 : i32
    %convert_element_type3A_44 = arith.extui %eq3A_43 : i1 to i32
    %cond3A_45 = arith.constant 0 : i32
    %cond3A_46 = arith.cmpi ne, %convert_element_type3A_44, %cond3A_45 : i32
    scf.if %cond3A_46 {
      %mul3A_47 = arith.constant 10000 : i32
      %mul3A_48 = arith.muli %arg0, %mul3A_47 : i32
      %add3A_49 = arith.constant 9984 : i32
      %add3A_50 = arith.addi %mul3A_48, %add3A_49 : i32
      "tpu.region"() ({
        %run_scoped3A = tpu.sem_alloc : memref<!tpu.dma_semaphore, #tpu.memory_space<semaphore_mem>>
        %dma_start3A = arith.constant 0 : i32
        %dma_start3A_51 = tpu.memref_slice %arg5[%add3A_50, %dma_start3A] : memref<20000x128xf32, #tpu.memory_space<hbm>> -> memref<16x128xf32, #tpu.memory_space<hbm>>
        %dma_start3A_52 = arith.constant 9984 : i32
        %dma_start3A_53 = arith.constant 0 : i32
        %dma_start3A_54 = tpu.memref_slice %arg9[%dma_start3A_52, %dma_start3A_53] : memref<10000x128xf32, #tpu.memory_space<vmem_shared>> -> memref<16x128xf32, #tpu.memory_space<vmem_shared>>
        tpu.enqueue_dma source(%dma_start3A_54 : memref<16x128xf32, #tpu.memory_space<vmem_shared>>) target(%dma_start3A_51 : memref<16x128xf32, #tpu.memory_space<hbm>>) target_semaphore(%run_scoped3A : memref<!tpu.dma_semaphore, #tpu.memory_space<semaphore_mem>>)
        %dma_wait3A = arith.constant 0 : i32
        %dma_wait3A_55 = tpu.memref_slice %arg5[%add3A_50, %dma_wait3A] : memref<20000x128xf32, #tpu.memory_space<hbm>> -> memref<16x128xf32, #tpu.memory_space<hbm>>
        %dma_wait3A_56 = arith.constant 9984 : i32
        %dma_wait3A_57 = arith.constant 0 : i32
        %dma_wait3A_58 = tpu.memref_slice %arg9[%dma_wait3A_56, %dma_wait3A_57] : memref<10000x128xf32, #tpu.memory_space<vmem_shared>> -> memref<16x128xf32, #tpu.memory_space<vmem_shared>>
        tpu.wait_dma2 semaphore(%run_scoped3A : memref<!tpu.dma_semaphore, #tpu.memory_space<semaphore_mem>>) src(%dma_wait3A_58 : memref<16x128xf32, #tpu.memory_space<vmem_shared>>) dst(%dma_wait3A_55 : memref<16x128xf32, #tpu.memory_space<hbm>>)
        tpu.yield
      }) : () -> ()
    } else {
    }
    return
  }
}

#map = affine_map<(d0, d1) -> (0, 0)>
#map1 = affine_map<(d0, d1) -> (0)>
module attributes {stable_mosaic.version = 14 : i64} {
  func.func @_sc_agg_body(%arg0: i32, %arg1: i32, %arg2: memref<10000x128xf32, #tpu.memory_space<hbm>>, %arg3: memref<320000xi32, #tpu.memory_space<hbm>>, %arg4: memref<320000xi32, #tpu.memory_space<hbm>>, %arg5: memref<20000x128xf32, #tpu.memory_space<hbm>>, %arg6: memref<128xi32, #tpu.memory_space<vmem>>, %arg7: memref<128xi32, #tpu.memory_space<vmem>>, %arg8: memref<128x128xf32, #tpu.memory_space<vmem>>, %arg9: memref<10000x128xf32, #tpu.memory_space<vmem_shared>>, %arg10: memref<!tpu.dma_semaphore, #tpu.memory_space<semaphore_mem>>) attributes {dimension_semantics = [#tpu.dimension_semantics<core_parallel>, #tpu.dimension_semantics<subcore_parallel>], iteration_bounds = array<i64: 2, 16>, scalar_prefetch = 0 : i64, scratch_operands = 5 : i64, tpu.core_type = #tpu.core_type<sc_vector_subcore>, window_params = [{transform_indices = #map}, {transform_indices = #map1}, {transform_indices = #map1}, {transform_indices = #map}]} {
    %mul3A = arith.constant 2 : i32
    %mul3A_0 = arith.muli %arg1, %mul3A : i32
    %add3A = arith.addi %mul3A_0, %arg0 : i32
    %broadcast_in_dim3A = arith.constant 0.000000e+00 : f32
    %broadcast_in_dim3A_1 = vector.broadcast %broadcast_in_dim3A : f32 to vector<16xf32>
    %scan3A = arith.constant 0 : i32
    %scan3A_2 = arith.constant 0 : i32
    %scan3A_3 = arith.constant 128 : i32
    %scan3A_4 = arith.addi %scan3A_2, %scan3A_3 : i32
    %scan3A_5 = arith.constant 1 : i32
    scf.for %scan3A_47 = %scan3A_2 to %scan3A_4 step %scan3A_5  : i32 {
      %swap3A = arith.index_cast %scan3A_47 : i32 to index
      %swap3A_48 = arith.constant 0 : index
      %swap3A_49 = tpu.vector_load %arg8[%swap3A, %swap3A_48] {strides = array<i32>} : memref<128x128xf32, #tpu.memory_space<vmem>>, vector<1x16xf32>,
      %swap3A_50 = vector.shape_cast %swap3A_49 : vector<1x16xf32> to vector<16xf32>
      %swap3A_51 = vector.shape_cast %broadcast_in_dim3A_1 : vector<16xf32> to vector<1x16xf32>
      tpu.vector_store %arg8[%swap3A, %swap3A_48], %swap3A_51 {strides = array<i32>} : memref<128x128xf32, #tpu.memory_space<vmem>>, vector<1x16xf32>,
      %swap3A_52 = arith.index_cast %scan3A_47 : i32 to index
      %swap3A_53 = arith.constant 16 : index
      %swap3A_54 = tpu.vector_load %arg8[%swap3A_52, %swap3A_53] {strides = array<i32>} : memref<128x128xf32, #tpu.memory_space<vmem>>, vector<1x16xf32>,
      %swap3A_55 = vector.shape_cast %swap3A_54 : vector<1x16xf32> to vector<16xf32>
      %swap3A_56 = vector.shape_cast %broadcast_in_dim3A_1 : vector<16xf32> to vector<1x16xf32>
      tpu.vector_store %arg8[%swap3A_52, %swap3A_53], %swap3A_56 {strides = array<i32>} : memref<128x128xf32, #tpu.memory_space<vmem>>, vector<1x16xf32>,
      %swap3A_57 = arith.index_cast %scan3A_47 : i32 to index
      %swap3A_58 = arith.constant 32 : index
      %swap3A_59 = tpu.vector_load %arg8[%swap3A_57, %swap3A_58] {strides = array<i32>} : memref<128x128xf32, #tpu.memory_space<vmem>>, vector<1x16xf32>,
      %swap3A_60 = vector.shape_cast %swap3A_59 : vector<1x16xf32> to vector<16xf32>
      %swap3A_61 = vector.shape_cast %broadcast_in_dim3A_1 : vector<16xf32> to vector<1x16xf32>
      tpu.vector_store %arg8[%swap3A_57, %swap3A_58], %swap3A_61 {strides = array<i32>} : memref<128x128xf32, #tpu.memory_space<vmem>>, vector<1x16xf32>,
      %swap3A_62 = arith.index_cast %scan3A_47 : i32 to index
      %swap3A_63 = arith.constant 48 : index
      %swap3A_64 = tpu.vector_load %arg8[%swap3A_62, %swap3A_63] {strides = array<i32>} : memref<128x128xf32, #tpu.memory_space<vmem>>, vector<1x16xf32>,
      %swap3A_65 = vector.shape_cast %swap3A_64 : vector<1x16xf32> to vector<16xf32>
      %swap3A_66 = vector.shape_cast %broadcast_in_dim3A_1 : vector<16xf32> to vector<1x16xf32>
      tpu.vector_store %arg8[%swap3A_62, %swap3A_63], %swap3A_66 {strides = array<i32>} : memref<128x128xf32, #tpu.memory_space<vmem>>, vector<1x16xf32>,
      %swap3A_67 = arith.index_cast %scan3A_47 : i32 to index
      %swap3A_68 = arith.constant 64 : index
      %swap3A_69 = tpu.vector_load %arg8[%swap3A_67, %swap3A_68] {strides = array<i32>} : memref<128x128xf32, #tpu.memory_space<vmem>>, vector<1x16xf32>,
      %swap3A_70 = vector.shape_cast %swap3A_69 : vector<1x16xf32> to vector<16xf32>
      %swap3A_71 = vector.shape_cast %broadcast_in_dim3A_1 : vector<16xf32> to vector<1x16xf32>
      tpu.vector_store %arg8[%swap3A_67, %swap3A_68], %swap3A_71 {strides = array<i32>} : memref<128x128xf32, #tpu.memory_space<vmem>>, vector<1x16xf32>,
      %swap3A_72 = arith.index_cast %scan3A_47 : i32 to index
      %swap3A_73 = arith.constant 80 : index
      %swap3A_74 = tpu.vector_load %arg8[%swap3A_72, %swap3A_73] {strides = array<i32>} : memref<128x128xf32, #tpu.memory_space<vmem>>, vector<1x16xf32>,
      %swap3A_75 = vector.shape_cast %swap3A_74 : vector<1x16xf32> to vector<16xf32>
      %swap3A_76 = vector.shape_cast %broadcast_in_dim3A_1 : vector<16xf32> to vector<1x16xf32>
      tpu.vector_store %arg8[%swap3A_72, %swap3A_73], %swap3A_76 {strides = array<i32>} : memref<128x128xf32, #tpu.memory_space<vmem>>, vector<1x16xf32>,
      %swap3A_77 = arith.index_cast %scan3A_47 : i32 to index
      %swap3A_78 = arith.constant 96 : index
      %swap3A_79 = tpu.vector_load %arg8[%swap3A_77, %swap3A_78] {strides = array<i32>} : memref<128x128xf32, #tpu.memory_space<vmem>>, vector<1x16xf32>,
      %swap3A_80 = vector.shape_cast %swap3A_79 : vector<1x16xf32> to vector<16xf32>
      %swap3A_81 = vector.shape_cast %broadcast_in_dim3A_1 : vector<16xf32> to vector<1x16xf32>
      tpu.vector_store %arg8[%swap3A_77, %swap3A_78], %swap3A_81 {strides = array<i32>} : memref<128x128xf32, #tpu.memory_space<vmem>>, vector<1x16xf32>,
      %swap3A_82 = arith.index_cast %scan3A_47 : i32 to index
      %swap3A_83 = arith.constant 112 : index
      %swap3A_84 = tpu.vector_load %arg8[%swap3A_82, %swap3A_83] {strides = array<i32>} : memref<128x128xf32, #tpu.memory_space<vmem>>, vector<1x16xf32>,
      %swap3A_85 = vector.shape_cast %swap3A_84 : vector<1x16xf32> to vector<16xf32>
      %swap3A_86 = vector.shape_cast %broadcast_in_dim3A_1 : vector<16xf32> to vector<1x16xf32>
      tpu.vector_store %arg8[%swap3A_82, %swap3A_83], %swap3A_86 {strides = array<i32>} : memref<128x128xf32, #tpu.memory_space<vmem>>, vector<1x16xf32>,
    }
    %scan3A_6 = arith.constant 128 : i32
    %mul3A_7 = arith.constant 624 : i32
    %mul3A_8 = arith.muli %arg1, %mul3A_7 : i32
    %add3A_9 = arith.constant 0 : i32
    %add3A_10 = arith.addi %mul3A_8, %add3A_9 : i32
    "tpu.region"() ({
      %run_scoped3A = tpu.sem_alloc : memref<!tpu.dma_semaphore, #tpu.memory_space<semaphore_mem>>
      %dma_start3A = arith.constant 0 : i32
      %dma_start3A_47 = tpu.memref_slice %arg9[%add3A_10, %dma_start3A] : memref<10000x128xf32, #tpu.memory_space<vmem_shared>> -> memref<128x128xf32, #tpu.memory_space<vmem_shared>>
      %dma_start3A_48 = arith.constant 0 : i32
      %dma_start3A_49 = tpu.memref_slice %arg9[%add3A_10, %dma_start3A_48] : memref<10000x128xf32, #tpu.memory_space<vmem_shared>> -> memref<128x128xf32, #tpu.memory_space<vmem_shared>>
      tpu.enqueue_dma source(%arg8 : memref<128x128xf32, #tpu.memory_space<vmem>>) target(%dma_start3A_49 : memref<128x128xf32, #tpu.memory_space<vmem_shared>>) target_semaphore(%run_scoped3A : memref<!tpu.dma_semaphore, #tpu.memory_space<semaphore_mem>>)
      %dma_wait3A = arith.constant 0 : i32
      %dma_wait3A_50 = tpu.memref_slice %arg9[%add3A_10, %dma_wait3A] : memref<10000x128xf32, #tpu.memory_space<vmem_shared>> -> memref<128x128xf32, #tpu.memory_space<vmem_shared>>
      %dma_wait3A_51 = arith.constant 0 : i32
      %dma_wait3A_52 = tpu.memref_slice %arg9[%add3A_10, %dma_wait3A_51] : memref<10000x128xf32, #tpu.memory_space<vmem_shared>> -> memref<128x128xf32, #tpu.memory_space<vmem_shared>>
      tpu.wait_dma2 semaphore(%run_scoped3A : memref<!tpu.dma_semaphore, #tpu.memory_space<semaphore_mem>>) src(%arg8 : memref<128x128xf32, #tpu.memory_space<vmem>>) dst(%dma_wait3A_52 : memref<128x128xf32, #tpu.memory_space<vmem_shared>>)
      tpu.yield
    }) : () -> ()
    %add3A_11 = arith.constant 128 : i32
    %add3A_12 = arith.addi %mul3A_8, %add3A_11 : i32
    "tpu.region"() ({
      %run_scoped3A = tpu.sem_alloc : memref<!tpu.dma_semaphore, #tpu.memory_space<semaphore_mem>>
      %dma_start3A = arith.constant 0 : i32
      %dma_start3A_47 = tpu.memref_slice %arg9[%add3A_12, %dma_start3A] : memref<10000x128xf32, #tpu.memory_space<vmem_shared>> -> memref<128x128xf32, #tpu.memory_space<vmem_shared>>
      %dma_start3A_48 = arith.constant 0 : i32
      %dma_start3A_49 = tpu.memref_slice %arg9[%add3A_12, %dma_start3A_48] : memref<10000x128xf32, #tpu.memory_space<vmem_shared>> -> memref<128x128xf32, #tpu.memory_space<vmem_shared>>
      tpu.enqueue_dma source(%arg8 : memref<128x128xf32, #tpu.memory_space<vmem>>) target(%dma_start3A_49 : memref<128x128xf32, #tpu.memory_space<vmem_shared>>) target_semaphore(%run_scoped3A : memref<!tpu.dma_semaphore, #tpu.memory_space<semaphore_mem>>)
      %dma_wait3A = arith.constant 0 : i32
      %dma_wait3A_50 = tpu.memref_slice %arg9[%add3A_12, %dma_wait3A] : memref<10000x128xf32, #tpu.memory_space<vmem_shared>> -> memref<128x128xf32, #tpu.memory_space<vmem_shared>>
      %dma_wait3A_51 = arith.constant 0 : i32
      %dma_wait3A_52 = tpu.memref_slice %arg9[%add3A_12, %dma_wait3A_51] : memref<10000x128xf32, #tpu.memory_space<vmem_shared>> -> memref<128x128xf32, #tpu.memory_space<vmem_shared>>
      tpu.wait_dma2 semaphore(%run_scoped3A : memref<!tpu.dma_semaphore, #tpu.memory_space<semaphore_mem>>) src(%arg8 : memref<128x128xf32, #tpu.memory_space<vmem>>) dst(%dma_wait3A_52 : memref<128x128xf32, #tpu.memory_space<vmem_shared>>)
      tpu.yield
    }) : () -> ()
    %add3A_13 = arith.constant 256 : i32
    %add3A_14 = arith.addi %mul3A_8, %add3A_13 : i32
    "tpu.region"() ({
      %run_scoped3A = tpu.sem_alloc : memref<!tpu.dma_semaphore, #tpu.memory_space<semaphore_mem>>
      %dma_start3A = arith.constant 0 : i32
      %dma_start3A_47 = tpu.memref_slice %arg9[%add3A_14, %dma_start3A] : memref<10000x128xf32, #tpu.memory_space<vmem_shared>> -> memref<128x128xf32, #tpu.memory_space<vmem_shared>>
      %dma_start3A_48 = arith.constant 0 : i32
      %dma_start3A_49 = tpu.memref_slice %arg9[%add3A_14, %dma_start3A_48] : memref<10000x128xf32, #tpu.memory_space<vmem_shared>> -> memref<128x128xf32, #tpu.memory_space<vmem_shared>>
      tpu.enqueue_dma source(%arg8 : memref<128x128xf32, #tpu.memory_space<vmem>>) target(%dma_start3A_49 : memref<128x128xf32, #tpu.memory_space<vmem_shared>>) target_semaphore(%run_scoped3A : memref<!tpu.dma_semaphore, #tpu.memory_space<semaphore_mem>>)
      %dma_wait3A = arith.constant 0 : i32
      %dma_wait3A_50 = tpu.memref_slice %arg9[%add3A_14, %dma_wait3A] : memref<10000x128xf32, #tpu.memory_space<vmem_shared>> -> memref<128x128xf32, #tpu.memory_space<vmem_shared>>
      %dma_wait3A_51 = arith.constant 0 : i32
      %dma_wait3A_52 = tpu.memref_slice %arg9[%add3A_14, %dma_wait3A_51] : memref<10000x128xf32, #tpu.memory_space<vmem_shared>> -> memref<128x128xf32, #tpu.memory_space<vmem_shared>>
      tpu.wait_dma2 semaphore(%run_scoped3A : memref<!tpu.dma_semaphore, #tpu.memory_space<semaphore_mem>>) src(%arg8 : memref<128x128xf32, #tpu.memory_space<vmem>>) dst(%dma_wait3A_52 : memref<128x128xf32, #tpu.memory_space<vmem_shared>>)
      tpu.yield
    }) : () -> ()
    %add3A_15 = arith.constant 384 : i32
    %add3A_16 = arith.addi %mul3A_8, %add3A_15 : i32
    "tpu.region"() ({
      %run_scoped3A = tpu.sem_alloc : memref<!tpu.dma_semaphore, #tpu.memory_space<semaphore_mem>>
      %dma_start3A = arith.constant 0 : i32
      %dma_start3A_47 = tpu.memref_slice %arg9[%add3A_16, %dma_start3A] : memref<10000x128xf32, #tpu.memory_space<vmem_shared>> -> memref<128x128xf32, #tpu.memory_space<vmem_shared>>
      %dma_start3A_48 = arith.constant 0 : i32
      %dma_start3A_49 = tpu.memref_slice %arg9[%add3A_16, %dma_start3A_48] : memref<10000x128xf32, #tpu.memory_space<vmem_shared>> -> memref<128x128xf32, #tpu.memory_space<vmem_shared>>
      tpu.enqueue_dma source(%arg8 : memref<128x128xf32, #tpu.memory_space<vmem>>) target(%dma_start3A_49 : memref<128x128xf32, #tpu.memory_space<vmem_shared>>) target_semaphore(%run_scoped3A : memref<!tpu.dma_semaphore, #tpu.memory_space<semaphore_mem>>)
      %dma_wait3A = arith.constant 0 : i32
      %dma_wait3A_50 = tpu.memref_slice %arg9[%add3A_16, %dma_wait3A] : memref<10000x128xf32, #tpu.memory_space<vmem_shared>> -> memref<128x128xf32, #tpu.memory_space<vmem_shared>>
      %dma_wait3A_51 = arith.constant 0 : i32
      %dma_wait3A_52 = tpu.memref_slice %arg9[%add3A_16, %dma_wait3A_51] : memref<10000x128xf32, #tpu.memory_space<vmem_shared>> -> memref<128x128xf32, #tpu.memory_space<vmem_shared>>
      tpu.wait_dma2 semaphore(%run_scoped3A : memref<!tpu.dma_semaphore, #tpu.memory_space<semaphore_mem>>) src(%arg8 : memref<128x128xf32, #tpu.memory_space<vmem>>) dst(%dma_wait3A_52 : memref<128x128xf32, #tpu.memory_space<vmem_shared>>)
      tpu.yield
    }) : () -> ()
    %add3A_17 = arith.constant 512 : i32
    %add3A_18 = arith.addi %mul3A_8, %add3A_17 : i32
    "tpu.region"() ({
      %run_scoped3A = tpu.sem_alloc : memref<!tpu.dma_semaphore, #tpu.memory_space<semaphore_mem>>
      %dma_start3A = arith.constant 0 : i32
      %dma_start3A_47 = arith.constant 0 : i32
      %dma_start3A_48 = tpu.memref_slice %arg8[%dma_start3A, %dma_start3A_47] : memref<128x128xf32, #tpu.memory_space<vmem>> -> memref<112x128xf32, #tpu.memory_space<vmem>>
      %dma_start3A_49 = arith.constant 0 : i32
      %dma_start3A_50 = tpu.memref_slice %arg9[%add3A_18, %dma_start3A_49] : memref<10000x128xf32, #tpu.memory_space<vmem_shared>> -> memref<112x128xf32, #tpu.memory_space<vmem_shared>>
      %dma_start3A_51 = arith.constant 0 : i32
      %dma_start3A_52 = tpu.memref_slice %arg9[%add3A_18, %dma_start3A_51] : memref<10000x128xf32, #tpu.memory_space<vmem_shared>> -> memref<112x128xf32, #tpu.memory_space<vmem_shared>>
      %dma_start3A_53 = arith.constant 0 : i32
      %dma_start3A_54 = arith.constant 0 : i32
      %dma_start3A_55 = tpu.memref_slice %arg8[%dma_start3A_53, %dma_start3A_54] : memref<128x128xf32, #tpu.memory_space<vmem>> -> memref<112x128xf32, #tpu.memory_space<vmem>>
      tpu.enqueue_dma source(%dma_start3A_55 : memref<112x128xf32, #tpu.memory_space<vmem>>) target(%dma_start3A_52 : memref<112x128xf32, #tpu.memory_space<vmem_shared>>) target_semaphore(%run_scoped3A : memref<!tpu.dma_semaphore, #tpu.memory_space<semaphore_mem>>)
      %dma_wait3A = arith.constant 0 : i32
      %dma_wait3A_56 = arith.constant 0 : i32
      %dma_wait3A_57 = tpu.memref_slice %arg8[%dma_wait3A, %dma_wait3A_56] : memref<128x128xf32, #tpu.memory_space<vmem>> -> memref<112x128xf32, #tpu.memory_space<vmem>>
      %dma_wait3A_58 = arith.constant 0 : i32
      %dma_wait3A_59 = tpu.memref_slice %arg9[%add3A_18, %dma_wait3A_58] : memref<10000x128xf32, #tpu.memory_space<vmem_shared>> -> memref<112x128xf32, #tpu.memory_space<vmem_shared>>
      %dma_wait3A_60 = arith.constant 0 : i32
      %dma_wait3A_61 = tpu.memref_slice %arg9[%add3A_18, %dma_wait3A_60] : memref<10000x128xf32, #tpu.memory_space<vmem_shared>> -> memref<112x128xf32, #tpu.memory_space<vmem_shared>>
      %dma_wait3A_62 = arith.constant 0 : i32
      %dma_wait3A_63 = arith.constant 0 : i32
      %dma_wait3A_64 = tpu.memref_slice %arg8[%dma_wait3A_62, %dma_wait3A_63] : memref<128x128xf32, #tpu.memory_space<vmem>> -> memref<112x128xf32, #tpu.memory_space<vmem>>
      tpu.wait_dma2 semaphore(%run_scoped3A : memref<!tpu.dma_semaphore, #tpu.memory_space<semaphore_mem>>) src(%dma_wait3A_64 : memref<112x128xf32, #tpu.memory_space<vmem>>) dst(%dma_wait3A_61 : memref<112x128xf32, #tpu.memory_space<vmem_shared>>)
      tpu.yield
    }) : () -> ()
    %eq3A = arith.constant 15 : i32
    %eq3A_19 = arith.cmpi eq, %arg1, %eq3A : i32
    %convert_element_type3A = arith.extui %eq3A_19 : i1 to i32
    %cond3A = arith.constant 0 : i32
    %cond3A_20 = arith.cmpi ne, %convert_element_type3A, %cond3A : i32
    scf.if %cond3A_20 {
      "tpu.region"() ({
        %run_scoped3A = tpu.sem_alloc : memref<!tpu.dma_semaphore, #tpu.memory_space<semaphore_mem>>
        %dma_start3A = arith.constant 0 : i32
        %dma_start3A_47 = arith.constant 0 : i32
        %dma_start3A_48 = tpu.memref_slice %arg8[%dma_start3A, %dma_start3A_47] : memref<128x128xf32, #tpu.memory_space<vmem>> -> memref<16x128xf32, #tpu.memory_space<vmem>>
        %dma_start3A_49 = arith.constant 9984 : i32
        %dma_start3A_50 = arith.constant 0 : i32
        %dma_start3A_51 = tpu.memref_slice %arg9[%dma_start3A_49, %dma_start3A_50] : memref<10000x128xf32, #tpu.memory_space<vmem_shared>> -> memref<16x128xf32, #tpu.memory_space<vmem_shared>>
        %dma_start3A_52 = arith.constant 9984 : i32
        %dma_start3A_53 = arith.constant 0 : i32
        %dma_start3A_54 = tpu.memref_slice %arg9[%dma_start3A_52, %dma_start3A_53] : memref<10000x128xf32, #tpu.memory_space<vmem_shared>> -> memref<16x128xf32, #tpu.memory_space<vmem_shared>>
        %dma_start3A_55 = arith.constant 0 : i32
        %dma_start3A_56 = arith.constant 0 : i32
        %dma_start3A_57 = tpu.memref_slice %arg8[%dma_start3A_55, %dma_start3A_56] : memref<128x128xf32, #tpu.memory_space<vmem>> -> memref<16x128xf32, #tpu.memory_space<vmem>>
        tpu.enqueue_dma source(%dma_start3A_57 : memref<16x128xf32, #tpu.memory_space<vmem>>) target(%dma_start3A_54 : memref<16x128xf32, #tpu.memory_space<vmem_shared>>) target_semaphore(%run_scoped3A : memref<!tpu.dma_semaphore, #tpu.memory_space<semaphore_mem>>)
        %dma_wait3A = arith.constant 0 : i32
        %dma_wait3A_58 = arith.constant 0 : i32
        %dma_wait3A_59 = tpu.memref_slice %arg8[%dma_wait3A, %dma_wait3A_58] : memref<128x128xf32, #tpu.memory_space<vmem>> -> memref<16x128xf32, #tpu.memory_space<vmem>>
        %dma_wait3A_60 = arith.constant 9984 : i32
        %dma_wait3A_61 = arith.constant 0 : i32
        %dma_wait3A_62 = tpu.memref_slice %arg9[%dma_wait3A_60, %dma_wait3A_61] : memref<10000x128xf32, #tpu.memory_space<vmem_shared>> -> memref<16x128xf32, #tpu.memory_space<vmem_shared>>
        %dma_wait3A_63 = arith.constant 9984 : i32
        %dma_wait3A_64 = arith.constant 0 : i32
        %dma_wait3A_65 = tpu.memref_slice %arg9[%dma_wait3A_63, %dma_wait3A_64] : memref<10000x128xf32, #tpu.memory_space<vmem_shared>> -> memref<16x128xf32, #tpu.memory_space<vmem_shared>>
        %dma_wait3A_66 = arith.constant 0 : i32
        %dma_wait3A_67 = arith.constant 0 : i32
        %dma_wait3A_68 = tpu.memref_slice %arg8[%dma_wait3A_66, %dma_wait3A_67] : memref<128x128xf32, #tpu.memory_space<vmem>> -> memref<16x128xf32, #tpu.memory_space<vmem>>
        tpu.wait_dma2 semaphore(%run_scoped3A : memref<!tpu.dma_semaphore, #tpu.memory_space<semaphore_mem>>) src(%dma_wait3A_68 : memref<16x128xf32, #tpu.memory_space<vmem>>) dst(%dma_wait3A_65 : memref<16x128xf32, #tpu.memory_space<vmem_shared>>)
        tpu.yield
      }) : () -> ()
    } else {
    }
    %barrier3A = arith.constant 0 : index
    tpu.barrier barrier_id(%barrier3A)
    %lt3A = arith.constant 4 : i32
    %lt3A_21 = arith.cmpi slt, %add3A, %lt3A : i32
    %jit3A = arith.constant 1 : i32
    %jit3A_22 = arith.constant 0 : i32
    %select_n3A = arith.select %lt3A_21, %jit3A, %jit3A_22 : i32
    %add3A_23 = arith.constant 78 : i32
    %add3A_24 = arith.addi %add3A_23, %select_n3A : i32
    %while3A = arith.constant 0 : i32
    %while3A_25 = arith.constant 0 : i32
    %while3A_26 = arith.subi %add3A_24, %while3A_25 : i32
    %while3A_27 = arith.addi %while3A_25, %while3A_26 : i32
    %while3A_28 = arith.constant 1 : i32
    %while3A_29 = arith.divsi %while3A_26, %while3A_28 : i32
    %while3A_30 = arith.muli %while3A_29, %while3A_28 : i32
    %while3A_31 = arith.addi %while3A_25, %while3A_30 : i32
    %while3A_32 = arith.constant 1 : i32
    scf.for %while3A_47 = %while3A_25 to %while3A_31 step %while3A_32  : i32 {
      %mul3A_48 = arith.constant 32 : i32
      %mul3A_49 = arith.muli %while3A_47, %mul3A_48 : i32
      %add3A_50 = arith.addi %mul3A_49, %add3A : i32
      %mul3A_51 = arith.constant 128 : i32
      %mul3A_52 = arith.muli %add3A_50, %mul3A_51 : i32
      "tpu.region"() ({
        %run_scoped3A = tpu.sem_alloc : memref<!tpu.dma_semaphore, #tpu.memory_space<semaphore_mem>>
        %dma_start3A_57 = tpu.memref_slice %arg3[%mul3A_52] : memref<320000xi32, #tpu.memory_space<hbm>> -> memref<128xi32, #tpu.memory_space<hbm>>
        %dma_start3A_58 = tpu.memref_slice %arg3[%mul3A_52] : memref<320000xi32, #tpu.memory_space<hbm>> -> memref<128xi32, #tpu.memory_space<hbm>>
        tpu.enqueue_dma source(%dma_start3A_58 : memref<128xi32, #tpu.memory_space<hbm>>) target(%arg6 : memref<128xi32, #tpu.memory_space<vmem>>) target_semaphore(%run_scoped3A : memref<!tpu.dma_semaphore, #tpu.memory_space<semaphore_mem>>)
        %dma_wait3A_59 = tpu.memref_slice %arg3[%mul3A_52] : memref<320000xi32, #tpu.memory_space<hbm>> -> memref<128xi32, #tpu.memory_space<hbm>>
        %dma_wait3A_60 = tpu.memref_slice %arg3[%mul3A_52] : memref<320000xi32, #tpu.memory_space<hbm>> -> memref<128xi32, #tpu.memory_space<hbm>>
        tpu.wait_dma2 semaphore(%run_scoped3A : memref<!tpu.dma_semaphore, #tpu.memory_space<semaphore_mem>>) src(%dma_wait3A_60 : memref<128xi32, #tpu.memory_space<hbm>>) dst(%arg6 : memref<128xi32, #tpu.memory_space<vmem>>)
        tpu.yield
      }) : () -> ()
      "tpu.region"() ({
        %run_scoped3A = tpu.sem_alloc : memref<!tpu.dma_semaphore, #tpu.memory_space<semaphore_mem>>
        %dma_start3A_57 = tpu.memref_slice %arg4[%mul3A_52] : memref<320000xi32, #tpu.memory_space<hbm>> -> memref<128xi32, #tpu.memory_space<hbm>>
        %dma_start3A_58 = tpu.memref_slice %arg4[%mul3A_52] : memref<320000xi32, #tpu.memory_space<hbm>> -> memref<128xi32, #tpu.memory_space<hbm>>
        tpu.enqueue_dma source(%dma_start3A_58 : memref<128xi32, #tpu.memory_space<hbm>>) target(%arg7 : memref<128xi32, #tpu.memory_space<vmem>>) target_semaphore(%run_scoped3A : memref<!tpu.dma_semaphore, #tpu.memory_space<semaphore_mem>>)
        %dma_wait3A_59 = tpu.memref_slice %arg4[%mul3A_52] : memref<320000xi32, #tpu.memory_space<hbm>> -> memref<128xi32, #tpu.memory_space<hbm>>
        %dma_wait3A_60 = tpu.memref_slice %arg4[%mul3A_52] : memref<320000xi32, #tpu.memory_space<hbm>> -> memref<128xi32, #tpu.memory_space<hbm>>
        tpu.wait_dma2 semaphore(%run_scoped3A : memref<!tpu.dma_semaphore, #tpu.memory_space<semaphore_mem>>) src(%dma_wait3A_60 : memref<128xi32, #tpu.memory_space<hbm>>) dst(%arg7 : memref<128xi32, #tpu.memory_space<vmem>>)
        tpu.yield
      }) : () -> ()
      %dma_start3A = arith.constant 0 : i32
      %dma_start3A_53 = arith.constant 0 : i32
      %dma_start3A_54 = tpu.memref_slice %arg2[%dma_start3A, %dma_start3A_53] : memref<10000x128xf32, #tpu.memory_space<hbm>> -> memref<10000x128xf32, #tpu.memory_space<hbm>>
      tpu.enqueue_indirect_dma source(%dma_start3A_54 : memref<10000x128xf32, #tpu.memory_space<hbm>>) target(%arg8 : memref<128x128xf32, #tpu.memory_space<vmem>>) offsets(%arg6 : memref<128xi32, #tpu.memory_space<vmem>>) semaphore(%arg10 : memref<!tpu.dma_semaphore, #tpu.memory_space<semaphore_mem>>)
      %dma_wait3A = arith.constant 0 : i32
      %dma_wait3A_55 = arith.constant 0 : i32
      %dma_wait3A_56 = tpu.memref_slice %arg2[%dma_wait3A, %dma_wait3A_55] : memref<10000x128xf32, #tpu.memory_space<hbm>> -> memref<10000x128xf32, #tpu.memory_space<hbm>>
      tpu.wait_indirect_dma semaphore(%arg10 : memref<!tpu.dma_semaphore, #tpu.memory_space<semaphore_mem>>) src(%dma_wait3A_56 : memref<10000x128xf32, #tpu.memory_space<hbm>>) dst(%arg8 : memref<128x128xf32, #tpu.memory_space<vmem>>)
      "tpu.region"() ({
        %run_scoped3A = tpu.sem_alloc : memref<!tpu.dma_semaphore, #tpu.memory_space<semaphore_mem>>
        %dma_start3A_57 = arith.constant 0 : i32
        %dma_start3A_58 = arith.constant 0 : i32
        %dma_start3A_59 = tpu.memref_slice %arg9[%dma_start3A_57, %dma_start3A_58] : memref<10000x128xf32, #tpu.memory_space<vmem_shared>> -> memref<10000x128xf32, #tpu.memory_space<vmem_shared>>
        tpu.enqueue_indirect_dma source(%arg8 : memref<128x128xf32, #tpu.memory_space<vmem>>) target(%dma_start3A_59 : memref<10000x128xf32, #tpu.memory_space<vmem_shared>>) offsets(%arg7 : memref<128xi32, #tpu.memory_space<vmem>>) semaphore(%run_scoped3A : memref<!tpu.dma_semaphore, #tpu.memory_space<semaphore_mem>>) {add = true}
        %dma_wait3A_60 = arith.constant 0 : i32
        %dma_wait3A_61 = arith.constant 0 : i32
        %dma_wait3A_62 = tpu.memref_slice %arg9[%dma_wait3A_60, %dma_wait3A_61] : memref<10000x128xf32, #tpu.memory_space<vmem_shared>> -> memref<10000x128xf32, #tpu.memory_space<vmem_shared>>
        tpu.wait_indirect_dma semaphore(%run_scoped3A : memref<!tpu.dma_semaphore, #tpu.memory_space<semaphore_mem>>) src(%arg8 : memref<128x128xf32, #tpu.memory_space<vmem>>) dst(%dma_wait3A_62 : memref<10000x128xf32, #tpu.memory_space<vmem_shared>>)
        tpu.yield
      }) : () -> ()
    }
    %while3A_33 = arith.constant 1 : i32
    scf.for %while3A_47 = %while3A_31 to %while3A_27 step %while3A_33  : i32 {
      %mul3A_48 = arith.constant 32 : i32
      %mul3A_49 = arith.muli %while3A_47, %mul3A_48 : i32
      %add3A_50 = arith.addi %mul3A_49, %add3A : i32
      %mul3A_51 = arith.constant 128 : i32
      %mul3A_52 = arith.muli %add3A_50, %mul3A_51 : i32
      "tpu.region"() ({
        %run_scoped3A = tpu.sem_alloc : memref<!tpu.dma_semaphore, #tpu.memory_space<semaphore_mem>>
        %dma_start3A_57 = tpu.memref_slice %arg3[%mul3A_52] : memref<320000xi32, #tpu.memory_space<hbm>> -> memref<128xi32, #tpu.memory_space<hbm>>
        %dma_start3A_58 = tpu.memref_slice %arg3[%mul3A_52] : memref<320000xi32, #tpu.memory_space<hbm>> -> memref<128xi32, #tpu.memory_space<hbm>>
        tpu.enqueue_dma source(%dma_start3A_58 : memref<128xi32, #tpu.memory_space<hbm>>) target(%arg6 : memref<128xi32, #tpu.memory_space<vmem>>) target_semaphore(%run_scoped3A : memref<!tpu.dma_semaphore, #tpu.memory_space<semaphore_mem>>)
        %dma_wait3A_59 = tpu.memref_slice %arg3[%mul3A_52] : memref<320000xi32, #tpu.memory_space<hbm>> -> memref<128xi32, #tpu.memory_space<hbm>>
        %dma_wait3A_60 = tpu.memref_slice %arg3[%mul3A_52] : memref<320000xi32, #tpu.memory_space<hbm>> -> memref<128xi32, #tpu.memory_space<hbm>>
        tpu.wait_dma2 semaphore(%run_scoped3A : memref<!tpu.dma_semaphore, #tpu.memory_space<semaphore_mem>>) src(%dma_wait3A_60 : memref<128xi32, #tpu.memory_space<hbm>>) dst(%arg6 : memref<128xi32, #tpu.memory_space<vmem>>)
        tpu.yield
      }) : () -> ()
      "tpu.region"() ({
        %run_scoped3A = tpu.sem_alloc : memref<!tpu.dma_semaphore, #tpu.memory_space<semaphore_mem>>
        %dma_start3A_57 = tpu.memref_slice %arg4[%mul3A_52] : memref<320000xi32, #tpu.memory_space<hbm>> -> memref<128xi32, #tpu.memory_space<hbm>>
        %dma_start3A_58 = tpu.memref_slice %arg4[%mul3A_52] : memref<320000xi32, #tpu.memory_space<hbm>> -> memref<128xi32, #tpu.memory_space<hbm>>
        tpu.enqueue_dma source(%dma_start3A_58 : memref<128xi32, #tpu.memory_space<hbm>>) target(%arg7 : memref<128xi32, #tpu.memory_space<vmem>>) target_semaphore(%run_scoped3A : memref<!tpu.dma_semaphore, #tpu.memory_space<semaphore_mem>>)
        %dma_wait3A_59 = tpu.memref_slice %arg4[%mul3A_52] : memref<320000xi32, #tpu.memory_space<hbm>> -> memref<128xi32, #tpu.memory_space<hbm>>
        %dma_wait3A_60 = tpu.memref_slice %arg4[%mul3A_52] : memref<320000xi32, #tpu.memory_space<hbm>> -> memref<128xi32, #tpu.memory_space<hbm>>
        tpu.wait_dma2 semaphore(%run_scoped3A : memref<!tpu.dma_semaphore, #tpu.memory_space<semaphore_mem>>) src(%dma_wait3A_60 : memref<128xi32, #tpu.memory_space<hbm>>) dst(%arg7 : memref<128xi32, #tpu.memory_space<vmem>>)
        tpu.yield
      }) : () -> ()
      %dma_start3A = arith.constant 0 : i32
      %dma_start3A_53 = arith.constant 0 : i32
      %dma_start3A_54 = tpu.memref_slice %arg2[%dma_start3A, %dma_start3A_53] : memref<10000x128xf32, #tpu.memory_space<hbm>> -> memref<10000x128xf32, #tpu.memory_space<hbm>>
      tpu.enqueue_indirect_dma source(%dma_start3A_54 : memref<10000x128xf32, #tpu.memory_space<hbm>>) target(%arg8 : memref<128x128xf32, #tpu.memory_space<vmem>>) offsets(%arg6 : memref<128xi32, #tpu.memory_space<vmem>>) semaphore(%arg10 : memref<!tpu.dma_semaphore, #tpu.memory_space<semaphore_mem>>)
      %dma_wait3A = arith.constant 0 : i32
      %dma_wait3A_55 = arith.constant 0 : i32
      %dma_wait3A_56 = tpu.memref_slice %arg2[%dma_wait3A, %dma_wait3A_55] : memref<10000x128xf32, #tpu.memory_space<hbm>> -> memref<10000x128xf32, #tpu.memory_space<hbm>>
      tpu.wait_indirect_dma semaphore(%arg10 : memref<!tpu.dma_semaphore, #tpu.memory_space<semaphore_mem>>) src(%dma_wait3A_56 : memref<10000x128xf32, #tpu.memory_space<hbm>>) dst(%arg8 : memref<128x128xf32, #tpu.memory_space<vmem>>)
      "tpu.region"() ({
        %run_scoped3A = tpu.sem_alloc : memref<!tpu.dma_semaphore, #tpu.memory_space<semaphore_mem>>
        %dma_start3A_57 = arith.constant 0 : i32
        %dma_start3A_58 = arith.constant 0 : i32
        %dma_start3A_59 = tpu.memref_slice %arg9[%dma_start3A_57, %dma_start3A_58] : memref<10000x128xf32, #tpu.memory_space<vmem_shared>> -> memref<10000x128xf32, #tpu.memory_space<vmem_shared>>
        tpu.enqueue_indirect_dma source(%arg8 : memref<128x128xf32, #tpu.memory_space<vmem>>) target(%dma_start3A_59 : memref<10000x128xf32, #tpu.memory_space<vmem_shared>>) offsets(%arg7 : memref<128xi32, #tpu.memory_space<vmem>>) semaphore(%run_scoped3A : memref<!tpu.dma_semaphore, #tpu.memory_space<semaphore_mem>>) {add = true}
        %dma_wait3A_60 = arith.constant 0 : i32
        %dma_wait3A_61 = arith.constant 0 : i32
        %dma_wait3A_62 = tpu.memref_slice %arg9[%dma_wait3A_60, %dma_wait3A_61] : memref<10000x128xf32, #tpu.memory_space<vmem_shared>> -> memref<10000x128xf32, #tpu.memory_space<vmem_shared>>
        tpu.wait_indirect_dma semaphore(%run_scoped3A : memref<!tpu.dma_semaphore, #tpu.memory_space<semaphore_mem>>) src(%arg8 : memref<128x128xf32, #tpu.memory_space<vmem>>) dst(%dma_wait3A_62 : memref<10000x128xf32, #tpu.memory_space<vmem_shared>>)
        tpu.yield
      }) : () -> ()
    }
    %barrier3A_34 = arith.constant 0 : index
    tpu.barrier barrier_id(%barrier3A_34)
    %mul3A_35 = arith.constant 10000 : i32
    %mul3A_36 = arith.muli %arg0, %mul3A_35 : i32
    %mul3A_37 = arith.constant 624 : i32
    %mul3A_38 = arith.muli %arg1, %mul3A_37 : i32
    %add3A_39 = arith.addi %mul3A_36, %mul3A_38 : i32
    %mul3A_40 = arith.constant 624 : i32
    %mul3A_41 = arith.muli %arg1, %mul3A_40 : i32
    "tpu.region"() ({
      %run_scoped3A = tpu.sem_alloc : memref<!tpu.dma_semaphore, #tpu.memory_space<semaphore_mem>>
      %dma_start3A = arith.constant 0 : i32
      %dma_start3A_47 = tpu.memref_slice %arg5[%add3A_39, %dma_start3A] : memref<20000x128xf32, #tpu.memory_space<hbm>> -> memref<624x128xf32, #tpu.memory_space<hbm>>
      %dma_start3A_48 = arith.constant 0 : i32
      %dma_start3A_49 = tpu.memref_slice %arg9[%mul3A_41, %dma_start3A_48] : memref<10000x128xf32, #tpu.memory_space<vmem_shared>> -> memref<624x128xf32, #tpu.memory_space<vmem_shared>>
      tpu.enqueue_dma source(%dma_start3A_49 : memref<624x128xf32, #tpu.memory_space<vmem_shared>>) target(%dma_start3A_47 : memref<624x128xf32, #tpu.memory_space<hbm>>) target_semaphore(%run_scoped3A : memref<!tpu.dma_semaphore, #tpu.memory_space<semaphore_mem>>)
      %dma_wait3A = arith.constant 0 : i32
      %dma_wait3A_50 = tpu.memref_slice %arg5[%add3A_39, %dma_wait3A] : memref<20000x128xf32, #tpu.memory_space<hbm>> -> memref<624x128xf32, #tpu.memory_space<hbm>>
      %dma_wait3A_51 = arith.constant 0 : i32
      %dma_wait3A_52 = tpu.memref_slice %arg9[%mul3A_41, %dma_wait3A_51] : memref<10000x128xf32, #tpu.memory_space<vmem_shared>> -> memref<624x128xf32, #tpu.memory_space<vmem_shared>>
      tpu.wait_dma2 semaphore(%run_scoped3A : memref<!tpu.dma_semaphore, #tpu.memory_space<semaphore_mem>>) src(%dma_wait3A_52 : memref<624x128xf32, #tpu.memory_space<vmem_shared>>) dst(%dma_wait3A_50 : memref<624x128xf32, #tpu.memory_space<hbm>>)
      tpu.yield
    }) : () -> ()
    %eq3A_42 = arith.constant 15 : i32
    %eq3A_43 = arith.cmpi eq, %arg1, %eq3A_42 : i32
    %convert_element_type3A_44 = arith.extui %eq3A_43 : i1 to i32
    %cond3A_45 = arith.constant 0 : i32
    %cond3A_46 = arith.cmpi ne, %convert_element_type3A_44, %cond3A_45 : i32
    scf.if %cond3A_46 {
      %mul3A_47 = arith.constant 10000 : i32
      %mul3A_48 = arith.muli %arg0, %mul3A_47 : i32
      %add3A_49 = arith.constant 9984 : i32
      %add3A_50 = arith.addi %mul3A_48, %add3A_49 : i32
      "tpu.region"() ({
        %run_scoped3A = tpu.sem_alloc : memref<!tpu.dma_semaphore, #tpu.memory_space<semaphore_mem>>
        %dma_start3A = arith.constant 0 : i32
        %dma_start3A_51 = tpu.memref_slice %arg5[%add3A_50, %dma_start3A] : memref<20000x128xf32, #tpu.memory_space<hbm>> -> memref<16x128xf32, #tpu.memory_space<hbm>>
        %dma_start3A_52 = arith.constant 9984 : i32
        %dma_start3A_53 = arith.constant 0 : i32
        %dma_start3A_54 = tpu.memref_slice %arg9[%dma_start3A_52, %dma_start3A_53] : memref<10000x128xf32, #tpu.memory_space<vmem_shared>> -> memref<16x128xf32, #tpu.memory_space<vmem_shared>>
        tpu.enqueue_dma source(%dma_start3A_54 : memref<16x128xf32, #tpu.memory_space<vmem_shared>>) target(%dma_start3A_51 : memref<16x128xf32, #tpu.memory_space<hbm>>) target_semaphore(%run_scoped3A : memref<!tpu.dma_semaphore, #tpu.memory_space<semaphore_mem>>)
        %dma_wait3A = arith.constant 0 : i32
        %dma_wait3A_55 = tpu.memref_slice %arg5[%add3A_50, %dma_wait3A] : memref<20000x128xf32, #tpu.memory_space<hbm>> -> memref<16x128xf32, #tpu.memory_space<hbm>>
        %dma_wait3A_56 = arith.constant 9984 : i32
        %dma_wait3A_57 = arith.constant 0 : i32
        %dma_wait3A_58 = tpu.memref_slice %arg9[%dma_wait3A_56, %dma_wait3A_57] : memref<10000x128xf32, #tpu.memory_space<vmem_shared>> -> memref<16x128xf32, #tpu.memory_space<vmem_shared>>
        tpu.wait_dma2 semaphore(%run_scoped3A : memref<!tpu.dma_semaphore, #tpu.memory_space<semaphore_mem>>) src(%dma_wait3A_58 : memref<16x128xf32, #tpu.memory_space<vmem_shared>>) dst(%dma_wait3A_55 : memref<16x128xf32, #tpu.memory_space<hbm>>)
        tpu.yield
      }) : () -> ()
    } else {
    }
    return
  }
}

module attributes {stable_mosaic.version = 14 : i64} {
  func.func @_tc_layer_body(%arg0: i32, %arg1: memref<1000x128xf32, #tpu.memory_space<vmem>>, %arg2: memref<1000x128xf32, #tpu.memory_space<vmem>>, %arg3: memref<1000x128xf32, #tpu.memory_space<vmem>>, %arg4: memref<1000x128xf32, #tpu.memory_space<vmem>>, %arg5: memref<1000x128xf32, #tpu.memory_space<vmem>>, %arg6: memref<128x128xf32, #tpu.memory_space<vmem>>, %arg7: memref<1x128xf32, #tpu.memory_space<vmem>>, %arg8: memref<128x128xf32, #tpu.memory_space<vmem>>, %arg9: memref<1000x128xf32, #tpu.memory_space<vmem>>) attributes {dimension_semantics = [#tpu.dimension_semantics<arbitrary>], iteration_bounds = array<i64: 10>, scalar_prefetch = 0 : i64, scratch_operands = 0 : i64, tpu.core_type = #tpu.core_type<tc>, window_params = [{transform_indices = @transform_0, window_bounds = array<i64: 1000, 128>}, {transform_indices = @transform_1, window_bounds = array<i64: 1000, 128>}, {transform_indices = @transform_2, window_bounds = array<i64: 1000, 128>}, {transform_indices = @transform_3, window_bounds = array<i64: 1000, 128>}, {transform_indices = @transform_4, window_bounds = array<i64: 1000, 128>}, {pipeline_mode = #tpu.pipeline_mode<synchronous>, transform_indices = @transform_5, window_bounds = array<i64: 128, 128>}, {pipeline_mode = #tpu.pipeline_mode<synchronous>, transform_indices = @transform_6, window_bounds = array<i64: 1, 128>}, {pipeline_mode = #tpu.pipeline_mode<synchronous>, transform_indices = @transform_7, window_bounds = array<i64: 128, 128>}, {transform_indices = @transform_8, window_bounds = array<i64: 1000, 128>}]} {
    %get3A = arith.constant 0 : index
    %get3A_0 = arith.constant 0 : index
    %get3A_1 = vector.load %arg1[%get3A, %get3A_0] : memref<1000x128xf32, #tpu.memory_space<vmem>>, vector<1000x128xf32>
    %get3A_2 = arith.constant 0 : index
    %get3A_3 = arith.constant 0 : index
    %get3A_4 = vector.load %arg2[%get3A_2, %get3A_3] : memref<1000x128xf32, #tpu.memory_space<vmem>>, vector<1000x128xf32>
    %add3A = arith.addf %get3A_1, %get3A_4 : vector<1000x128xf32>
    %get3A_5 = arith.constant 0 : index
    %get3A_6 = arith.constant 0 : index
    %get3A_7 = vector.load %arg3[%get3A_5, %get3A_6] : memref<1000x128xf32, #tpu.memory_space<vmem>>, vector<1000x128xf32>
    %slice3A = vector.extract_strided_slice %get3A_7 {offsets = [0, 0], sizes = [1000, 1], strides = [1, 1]} : vector<1000x128xf32> to vector<1000x1xf32>
    %get3A_8 = arith.constant 0 : index
    %get3A_9 = arith.constant 0 : index
    %get3A_10 = vector.load %arg4[%get3A_8, %get3A_9] : memref<1000x128xf32, #tpu.memory_space<vmem>>, vector<1000x128xf32>
    %slice3A_11 = vector.extract_strided_slice %get3A_10 {offsets = [0, 0], sizes = [1000, 1], strides = [1, 1]} : vector<1000x128xf32> to vector<1000x1xf32>
    %add3A_12 = arith.addf %slice3A, %slice3A_11 : vector<1000x1xf32>
    %max3A = arith.constant 1.000000e+00 : f32
    %max3A_13 = vector.broadcast %max3A : f32 to vector<1000x1xf32>
    %max3A_14 = arith.maximumf %add3A_12, %max3A_13 : vector<1000x1xf32>
    %div3A = vector.broadcast %max3A_14 : vector<1000x1xf32> to vector<1000x128xf32>
    %div3A_15 = arith.divf %add3A, %div3A : vector<1000x128xf32>
    %get3A_16 = arith.constant 0 : index
    %get3A_17 = arith.constant 0 : index
    %get3A_18 = vector.load %arg6[%get3A_16, %get3A_17] : memref<128x128xf32, #tpu.memory_space<vmem>>, vector<128x128xf32>
    %dot_general3A = arith.constant dense<0.000000e+00> : vector<1000x128xf32>
    %dot_general3A_19 = tpu.matmul %div3A_15, %get3A_18, %dot_general3A {dimension_numbers = #tpu.dot_dimension_numbers<[1], [0], [0], [1], [0, 0, 1, 1], [], []>, transpose_lhs_hint = false} : vector<1000x128xf32>, vector<128x128xf32>, vector<1000x128xf32> -> vector<1000x128xf32>
    %get3A_20 = arith.constant 0 : index
    %get3A_21 = arith.constant 0 : index
    %get3A_22 = vector.load %arg7[%get3A_20, %get3A_21] : memref<1x128xf32, #tpu.memory_space<vmem>>, vector<1x128xf32>
    %add3A_23 = vector.broadcast %get3A_22 : vector<1x128xf32> to vector<1000x128xf32>
    %add3A_24 = arith.addf %dot_general3A_19, %add3A_23 : vector<1000x128xf32>
    %get3A_25 = arith.constant 0 : index
    %get3A_26 = arith.constant 0 : index
    %get3A_27 = vector.load %arg5[%get3A_25, %get3A_26] : memref<1000x128xf32, #tpu.memory_space<vmem>>, vector<1000x128xf32>
    %get3A_28 = arith.constant 0 : index
    %get3A_29 = arith.constant 0 : index
    %get3A_30 = vector.load %arg8[%get3A_28, %get3A_29] : memref<128x128xf32, #tpu.memory_space<vmem>>, vector<128x128xf32>
    %dot_general3A_31 = arith.constant dense<0.000000e+00> : vector<1000x128xf32>
    %dot_general3A_32 = tpu.matmul %get3A_27, %get3A_30, %dot_general3A_31 {dimension_numbers = #tpu.dot_dimension_numbers<[1], [0], [0], [1], [0, 0, 1, 1], [], []>, transpose_lhs_hint = false} : vector<1000x128xf32>, vector<128x128xf32>, vector<1000x128xf32> -> vector<1000x128xf32>
    %add3A_33 = arith.addf %add3A_24, %dot_general3A_32 : vector<1000x128xf32>
    %max3A_34 = arith.constant 0.000000e+00 : f32
    %max3A_35 = vector.broadcast %max3A_34 : f32 to vector<1000x128xf32>
    %max3A_36 = arith.maximumf %add3A_33, %max3A_35 : vector<1000x128xf32>
    %swap3A = arith.constant 0 : index
    %swap3A_37 = arith.constant 0 : index
    %swap3A_38 = vector.load %arg9[%swap3A, %swap3A_37] : memref<1000x128xf32, #tpu.memory_space<vmem>>, vector<1000x128xf32>
    tpu.vector_store %arg9[%swap3A, %swap3A_37], %max3A_36 {strides = array<i32>} : memref<1000x128xf32, #tpu.memory_space<vmem>>, vector<1000x128xf32>,
    return
  }
  func.func @transform_0(%arg0: i32) -> (i32, i32) {
    %c0_i32 = arith.constant 0 : i32
    %c0_i32_0 = arith.constant 0 : i32
    return %arg0, %c0_i32 : i32, i32
  }
  func.func @transform_1(%arg0: i32) -> (i32, i32) {
    %c0_i32 = arith.constant 0 : i32
    %c0_i32_0 = arith.constant 0 : i32
    return %arg0, %c0_i32 : i32, i32
  }
  func.func @transform_2(%arg0: i32) -> (i32, i32) {
    %c0_i32 = arith.constant 0 : i32
    %c0_i32_0 = arith.constant 0 : i32
    return %arg0, %c0_i32 : i32, i32
  }
  func.func @transform_3(%arg0: i32) -> (i32, i32) {
    %c0_i32 = arith.constant 0 : i32
    %c0_i32_0 = arith.constant 0 : i32
    return %arg0, %c0_i32 : i32, i32
  }
  func.func @transform_4(%arg0: i32) -> (i32, i32) {
    %c0_i32 = arith.constant 0 : i32
    %c0_i32_0 = arith.constant 0 : i32
    return %arg0, %c0_i32 : i32, i32
  }
  func.func @transform_5(%arg0: i32) -> (i32, i32) {
    %c0_i32 = arith.constant 0 : i32
    %c0_i32_0 = arith.constant 0 : i32
    %c0_i32_1 = arith.constant 0 : i32
    return %c0_i32, %c0_i32_0 : i32, i32
  }
  func.func @transform_6(%arg0: i32) -> (i32, i32) {
    %c0_i32 = arith.constant 0 : i32
    %c0_i32_0 = arith.constant 0 : i32
    %c0_i32_1 = arith.constant 0 : i32
    return %c0_i32, %c0_i32_0 : i32, i32
  }
  func.func @transform_7(%arg0: i32) -> (i32, i32) {
    %c0_i32 = arith.constant 0 : i32
    %c0_i32_0 = arith.constant 0 : i32
    %c0_i32_1 = arith.constant 0 : i32
    return %c0_i32, %c0_i32_0 : i32, i32
  }
  func.func @transform_8(%arg0: i32) -> (i32, i32) {
    %c0_i32 = arith.constant 0 : i32
    %c0_i32_0 = arith.constant 0 : i32
    return %arg0, %c0_i32 : i32, i32
  }
}

module attributes {stable_mosaic.version = 14 : i64} {
  func.func @_tc_final_body(%arg0: i32, %arg1: memref<1000x128xf32, #tpu.memory_space<vmem>>, %arg2: memref<1000x128xf32, #tpu.memory_space<vmem>>, %arg3: memref<1000x128xf32, #tpu.memory_space<vmem>>, %arg4: memref<1000x128xf32, #tpu.memory_space<vmem>>, %arg5: memref<1000x128xf32, #tpu.memory_space<vmem>>, %arg6: memref<128x128xf32, #tpu.memory_space<vmem>>, %arg7: memref<1x128xf32, #tpu.memory_space<vmem>>, %arg8: memref<128x128xf32, #tpu.memory_space<vmem>>, %arg9: memref<128x128xf32, #tpu.memory_space<vmem>>, %arg10: memref<1x128xf32, #tpu.memory_space<vmem>>, %arg11: memref<1000x128xf32, #tpu.memory_space<vmem>>) attributes {dimension_semantics = [#tpu.dimension_semantics<arbitrary>], iteration_bounds = array<i64: 10>, scalar_prefetch = 0 : i64, scratch_operands = 0 : i64, tpu.core_type = #tpu.core_type<tc>, window_params = [{transform_indices = @transform_0, window_bounds = array<i64: 1000, 128>}, {transform_indices = @transform_1, window_bounds = array<i64: 1000, 128>}, {transform_indices = @transform_2, window_bounds = array<i64: 1000, 128>}, {transform_indices = @transform_3, window_bounds = array<i64: 1000, 128>}, {transform_indices = @transform_4, window_bounds = array<i64: 1000, 128>}, {pipeline_mode = #tpu.pipeline_mode<synchronous>, transform_indices = @transform_5, window_bounds = array<i64: 128, 128>}, {pipeline_mode = #tpu.pipeline_mode<synchronous>, transform_indices = @transform_6, window_bounds = array<i64: 1, 128>}, {pipeline_mode = #tpu.pipeline_mode<synchronous>, transform_indices = @transform_7, window_bounds = array<i64: 128, 128>}, {pipeline_mode = #tpu.pipeline_mode<synchronous>, transform_indices = @transform_8, window_bounds = array<i64: 128, 128>}, {pipeline_mode = #tpu.pipeline_mode<synchronous>, transform_indices = @transform_9, window_bounds = array<i64: 1, 128>}, {transform_indices = @transform_10, window_bounds = array<i64: 1000, 128>}]} {
    %get3A = arith.constant 0 : index
    %get3A_0 = arith.constant 0 : index
    %get3A_1 = vector.load %arg1[%get3A, %get3A_0] : memref<1000x128xf32, #tpu.memory_space<vmem>>, vector<1000x128xf32>
    %get3A_2 = arith.constant 0 : index
    %get3A_3 = arith.constant 0 : index
    %get3A_4 = vector.load %arg2[%get3A_2, %get3A_3] : memref<1000x128xf32, #tpu.memory_space<vmem>>, vector<1000x128xf32>
    %add3A = arith.addf %get3A_1, %get3A_4 : vector<1000x128xf32>
    %get3A_5 = arith.constant 0 : index
    %get3A_6 = arith.constant 0 : index
    %get3A_7 = vector.load %arg3[%get3A_5, %get3A_6] : memref<1000x128xf32, #tpu.memory_space<vmem>>, vector<1000x128xf32>
    %slice3A = vector.extract_strided_slice %get3A_7 {offsets = [0, 0], sizes = [1000, 1], strides = [1, 1]} : vector<1000x128xf32> to vector<1000x1xf32>
    %get3A_8 = arith.constant 0 : index
    %get3A_9 = arith.constant 0 : index
    %get3A_10 = vector.load %arg4[%get3A_8, %get3A_9] : memref<1000x128xf32, #tpu.memory_space<vmem>>, vector<1000x128xf32>
    %slice3A_11 = vector.extract_strided_slice %get3A_10 {offsets = [0, 0], sizes = [1000, 1], strides = [1, 1]} : vector<1000x128xf32> to vector<1000x1xf32>
    %add3A_12 = arith.addf %slice3A, %slice3A_11 : vector<1000x1xf32>
    %max3A = arith.constant 1.000000e+00 : f32
    %max3A_13 = vector.broadcast %max3A : f32 to vector<1000x1xf32>
    %max3A_14 = arith.maximumf %add3A_12, %max3A_13 : vector<1000x1xf32>
    %div3A = vector.broadcast %max3A_14 : vector<1000x1xf32> to vector<1000x128xf32>
    %div3A_15 = arith.divf %add3A, %div3A : vector<1000x128xf32>
    %get3A_16 = arith.constant 0 : index
    %get3A_17 = arith.constant 0 : index
    %get3A_18 = vector.load %arg6[%get3A_16, %get3A_17] : memref<128x128xf32, #tpu.memory_space<vmem>>, vector<128x128xf32>
    %dot_general3A = arith.constant dense<0.000000e+00> : vector<1000x128xf32>
    %dot_general3A_19 = tpu.matmul %div3A_15, %get3A_18, %dot_general3A {dimension_numbers = #tpu.dot_dimension_numbers<[1], [0], [0], [1], [0, 0, 1, 1], [], []>, transpose_lhs_hint = false} : vector<1000x128xf32>, vector<128x128xf32>, vector<1000x128xf32> -> vector<1000x128xf32>
    %get3A_20 = arith.constant 0 : index
    %get3A_21 = arith.constant 0 : index
    %get3A_22 = vector.load %arg7[%get3A_20, %get3A_21] : memref<1x128xf32, #tpu.memory_space<vmem>>, vector<1x128xf32>
    %add3A_23 = vector.broadcast %get3A_22 : vector<1x128xf32> to vector<1000x128xf32>
    %add3A_24 = arith.addf %dot_general3A_19, %add3A_23 : vector<1000x128xf32>
    %get3A_25 = arith.constant 0 : index
    %get3A_26 = arith.constant 0 : index
    %get3A_27 = vector.load %arg5[%get3A_25, %get3A_26] : memref<1000x128xf32, #tpu.memory_space<vmem>>, vector<1000x128xf32>
    %get3A_28 = arith.constant 0 : index
    %get3A_29 = arith.constant 0 : index
    %get3A_30 = vector.load %arg8[%get3A_28, %get3A_29] : memref<128x128xf32, #tpu.memory_space<vmem>>, vector<128x128xf32>
    %dot_general3A_31 = arith.constant dense<0.000000e+00> : vector<1000x128xf32>
    %dot_general3A_32 = tpu.matmul %get3A_27, %get3A_30, %dot_general3A_31 {dimension_numbers = #tpu.dot_dimension_numbers<[1], [0], [0], [1], [0, 0, 1, 1], [], []>, transpose_lhs_hint = false} : vector<1000x128xf32>, vector<128x128xf32>, vector<1000x128xf32> -> vector<1000x128xf32>
    %add3A_33 = arith.addf %add3A_24, %dot_general3A_32 : vector<1000x128xf32>
    %max3A_34 = arith.constant 0.000000e+00 : f32
    %max3A_35 = vector.broadcast %max3A_34 : f32 to vector<1000x128xf32>
    %max3A_36 = arith.maximumf %add3A_33, %max3A_35 : vector<1000x128xf32>
    %get3A_37 = arith.constant 0 : index
    %get3A_38 = arith.constant 0 : index
    %get3A_39 = vector.load %arg9[%get3A_37, %get3A_38] : memref<128x128xf32, #tpu.memory_space<vmem>>, vector<128x128xf32>
    %dot_general3A_40 = arith.constant dense<0.000000e+00> : vector<1000x128xf32>
    %dot_general3A_41 = tpu.matmul %max3A_36, %get3A_39, %dot_general3A_40 {dimension_numbers = #tpu.dot_dimension_numbers<[1], [0], [0], [1], [0, 0, 1, 1], [], []>, transpose_lhs_hint = false} : vector<1000x128xf32>, vector<128x128xf32>, vector<1000x128xf32> -> vector<1000x128xf32>
    %get3A_42 = arith.constant 0 : index
    %get3A_43 = arith.constant 0 : index
    %get3A_44 = vector.load %arg10[%get3A_42, %get3A_43] : memref<1x128xf32, #tpu.memory_space<vmem>>, vector<1x128xf32>
    %add3A_45 = vector.broadcast %get3A_44 : vector<1x128xf32> to vector<1000x128xf32>
    %add3A_46 = arith.addf %dot_general3A_41, %add3A_45 : vector<1000x128xf32>
    %swap3A = arith.constant 0 : index
    %swap3A_47 = arith.constant 0 : index
    %swap3A_48 = vector.load %arg11[%swap3A, %swap3A_47] : memref<1000x128xf32, #tpu.memory_space<vmem>>, vector<1000x128xf32>
    tpu.vector_store %arg11[%swap3A, %swap3A_47], %add3A_46 {strides = array<i32>} : memref<1000x128xf32, #tpu.memory_space<vmem>>, vector<1000x128xf32>,
    return
  }
  func.func @transform_0(%arg0: i32) -> (i32, i32) {
    %c0_i32 = arith.constant 0 : i32
    %c0_i32_0 = arith.constant 0 : i32
    return %arg0, %c0_i32 : i32, i32
  }
  func.func @transform_1(%arg0: i32) -> (i32, i32) {
    %c0_i32 = arith.constant 0 : i32
    %c0_i32_0 = arith.constant 0 : i32
    return %arg0, %c0_i32 : i32, i32
  }
  func.func @transform_2(%arg0: i32) -> (i32, i32) {
    %c0_i32 = arith.constant 0 : i32
    %c0_i32_0 = arith.constant 0 : i32
    return %arg0, %c0_i32 : i32, i32
  }
  func.func @transform_3(%arg0: i32) -> (i32, i32) {
    %c0_i32 = arith.constant 0 : i32
    %c0_i32_0 = arith.constant 0 : i32
    return %arg0, %c0_i32 : i32, i32
  }
  func.func @transform_4(%arg0: i32) -> (i32, i32) {
    %c0_i32 = arith.constant 0 : i32
    %c0_i32_0 = arith.constant 0 : i32
    return %arg0, %c0_i32 : i32, i32
  }
  func.func @transform_5(%arg0: i32) -> (i32, i32) {
    %c0_i32 = arith.constant 0 : i32
    %c0_i32_0 = arith.constant 0 : i32
    %c0_i32_1 = arith.constant 0 : i32
    return %c0_i32, %c0_i32_0 : i32, i32
  }
  func.func @transform_6(%arg0: i32) -> (i32, i32) {
    %c0_i32 = arith.constant 0 : i32
    %c0_i32_0 = arith.constant 0 : i32
    %c0_i32_1 = arith.constant 0 : i32
    return %c0_i32, %c0_i32_0 : i32, i32
  }
  func.func @transform_7(%arg0: i32) -> (i32, i32) {
    %c0_i32 = arith.constant 0 : i32
    %c0_i32_0 = arith.constant 0 : i32
    %c0_i32_1 = arith.constant 0 : i32
    return %c0_i32, %c0_i32_0 : i32, i32
  }
  func.func @transform_8(%arg0: i32) -> (i32, i32) {
    %c0_i32 = arith.constant 0 : i32
    %c0_i32_0 = arith.constant 0 : i32
    %c0_i32_1 = arith.constant 0 : i32
    return %c0_i32, %c0_i32_0 : i32, i32
  }
  func.func @transform_9(%arg0: i32) -> (i32, i32) {
    %c0_i32 = arith.constant 0 : i32
    %c0_i32_0 = arith.constant 0 : i32
    %c0_i32_1 = arith.constant 0 : i32
    return %c0_i32, %c0_i32_0 : i32, i32
  }
  func.func @transform_10(%arg0: i32) -> (i32, i32) {
    %c0_i32 = arith.constant 0 : i32
    %c0_i32_0 = arith.constant 0 : i32
    return %arg0, %c0_i32 : i32, i32
  }
}

</mosaic_0001>

<sc_bundles>
// kernel: kernel.10.cloned.1.call-start
scs
__scs_entry_jumppad:
0x0: {  	(pc) =	sbr.rel $0x88, $3  }
0x1: {  	(tag) =	ssettag $0x0;
	lr =	simm.s32 $0x1  }
0x2: {  	[smem:$0x3F97] =	sst lr;
	_ =	strace $0xD0000000  }
0x3: {  	_ = 	snop  }
0x4: {  	_ = 	snop  }
0x5: {  	_ = 	snop  }
0x6: {  	_ = 	snop  }
0x7: {  	_ = 	snop  }
__scs_overlays_trampoline_lowered:
0x8: {  	[smem:$0x3FA6] =	sst s0  }
0x9: {  	[smem:$0x3FA7] =	sst s1  }
0xa: {  	[smem:$0x3FA8] =	sst s2  }
0xb: {  	[smem:$0x3FA9] =	sst s3  }
0xc: {  	[smem:$0x3FAA] =	sst s4  }
0xd: {  	[smem:$0x3FAB] =	sst s5  }
0xe: {  	[smem:$0x3FAC] =	sst s6  }
0xf: {  	[smem:$0x3FAD] =	sst s7  }
0x10: {  	[smem:$0x3FAE] =	sst s8  }
0x11: {  	[smem:$0x3FAF] =	sst s9;
	s0 =	simm.s32 @!p0 $0x0  }
0x12: {  	s1 =	sld [smem:$0x3F95];
	s0 =	simm.s32 @p0 $0x1  }
0x13: {  	[smem:$0x3FB0] =	sst s0;
	s0 =	simm.s32 @!p1 $0x0  }
0x14: {  	s2 =	sld [smem:$0x3F94];
	s0 =	simm.s32 @p1 $0x1  }
0x15: {  	[smem:$0x3FB1] =	sst s0;
	s0 =	simm.s32 @!p2 $0x0  }
0x16: {  	s3 =	sld [smem:$0x3FDB];
	s0 =	simm.s32 @p2 $0x1  }
0x17: {  	s4 =	simm.s32 $0x1BF5;
	[smem:$0x3FB3] =	sst s0  }
0x18: {  	s0 =	sld [smem:$0x3F96];
	_ =	swait.ge [sflag:s4], $0x0  }
0x19: {  	s7 =	sld [smem:$0x3F97]  }
0x1a: {  	s8 =	sadd.s32 $0xFFFFE003, lr  }
0x1b: {  	s9 =	sadd.s32 $0xFFFFFEF7, lr;
	s5 =	simm.s32 $0xFFFFFFFF;
	p2 =	slt.u32 s8, $0xFFFFF086  }
0x1c: {  	p1 =	slt.u32 s9, $0xF7A;
	s5 =	simm.s32 @!p2 $0x0  }
0x1d: {  	s5 =	simm.s32 @p1 $0x1;
	p0 =	seq.s32 s7, s2  }
0x1e: {  	s7 =	smul.u32 @!p0 $0xF7A, s2;
	p2 =	seq.s32 @!p0 s5, $0x0  }
0x1f: {  	s9 =	smul.u32 $0xF7A, s1;
	s8 =	simm.s32 @!p0 $0x1BF5;
	p2 =	por !p2, p0  }
0x20: {  	[sflag:s8] =	ssyncset.s32 @!p0 $0xFFFFF086;
	s6 =	sadd.s32 @!p0 s3, s7;
	s7 =	simm.s32 @!p0 $0x108  }
0x21: {  	s3 =	sadd.s32 s3, s9;
	s6 =	sadd.s32 @!p0 $0x88, s6;
	s7 =	simm.s32 @p2 $0x1082  }
0x22: {  	[simem:s7], [sflag:s8] =	dma.local @!p0 [hbm:s6], $0xF7A  }
0x23: {  	s9 =	sor.u32 $0xD0000000, s2;
	s6 =	simm.s32 $0x108;
	_ =	swait.ge @!p0 [sflag:s8], $0x0  }
0x24: {  	s3 =	sadd.s32 $0x88, s3;
	s6 =	simm.s32 @!p1 $0x1082;
	[sflag:s4] =	ssyncset.s32 $0xFFFFF086  }
0x25: {  	[simem:s6], [sflag:s4] =	dma.local [hbm:s3], $0xF7A  }
0x26: {  	[smem:$0x3F97] =	sst s1;
	(tag) =	ssettag s2;
	_ =	strace s9  }
0x27: {  	s1 =	sld [smem:$0x3FA7]  }
0x28: {  	s2 =	sld [smem:$0x3FA8]  }
0x29: {  	s4 =	sld [smem:$0x3FAA]  }
0x2a: {  	p0 =	seq.s32 s5, $0x0;
	s5 =	sld [smem:$0x3FAB]  }
0x2b: {  	s6 =	sld [smem:$0x3FAC]  }
0x2c: {  	s7 =	sld [smem:$0x3FAD]  }
0x2d: {  	s3 =	simm.s32 $0x108;
	s8 =	sld [smem:$0x3FAE]  }
0x2e: {  	s3 =	simm.s32 @!p0 $0x1082;
	s9 =	sld [smem:$0x3FAF]  }
0x2f: {  	lr =	sadd.s32 s0, s3;
	s0 =	sld [smem:$0x3FA6]  }
0x30: {  	s3 =	sld [smem:$0x3FA9]  }
0x31: {  	[smem:$0x3FB2] =	sst s10  }
0x32: {  	s10 =	sld [smem:$0x3FB0];
	_ =	sdelay $0x3  }
0x33: {  	p0 =	seq.s32 s10, $0x1;
	s10 =	sld [smem:$0x3FB2];
	_ =	sdelay $0x3  }
0x34: {  	[smem:$0x3FB2] =	sst s10  }
0x35: {  	s10 =	sld [smem:$0x3FB1];
	_ =	sdelay $0x3  }
0x36: {  	p1 =	seq.s32 s10, $0x1;
	s10 =	sld [smem:$0x3FB2];
	_ =	sdelay $0x3  }
0x37: {  	[smem:$0x3FB2] =	sst s10  }
0x38: {  	s10 =	sld [smem:$0x3FB3]  }
0x39: {  	_ = 	snop;
	(pc) =	sbr.ind lr, $3  }
0x3a: {  	_ = 	snop  }
0x3b: {  	_ = 	snop  }
0x3c: {  	p2 =	seq.s32 s10, $0x1;
	s10 =	sld [smem:$0x3FB2]  }
0x3d: {  	_ =	shalt  }
0x3e: {  	_ =	shalt  }
0x3f: {  	_ =	shalt  }
0x40: {  	_ =	shalt  }
0x41: {  	_ =	shalt  }
0x42: {  	_ =	shalt  }
0x43: {  	_ =	shalt  }
0x44: {  	_ =	shalt  }
0x45: {  	_ =	shalt  }
0x46: {  	_ =	shalt  }
0x47: {  	_ =	shalt  }
0x48: {  	_ =	shalt  }
0x49: {  	_ =	shalt  }
0x4a: {  	_ =	shalt  }
0x4b: {  	_ =	shalt  }
0x4c: {  	_ =	shalt  }
0x4d: {  	_ =	shalt  }
0x4e: {  	_ =	shalt  }
0x4f: {  	_ =	shalt  }
0x50: {  	_ =	shalt  }
0x51: {  	_ =	shalt  }
0x52: {  	_ =	shalt  }
0x53: {  	_ =	shalt  }
0x54: {  	_ =	shalt  }
0x55: {  	_ =	shalt  }
0x56: {  	_ =	shalt  }
0x57: {  	_ =	shalt  }
0x58: {  	_ =	shalt  }
0x59: {  	_ =	shalt  }
0x5a: {  	_ =	shalt  }
0x5b: {  	_ =	shalt  }
0x5c: {  	_ =	shalt  }
0x5d: {  	_ =	shalt  }
0x5e: {  	_ =	shalt  }
0x5f: {  	_ =	shalt  }
0x60: {  	_ =	shalt  }
0x61: {  	_ =	shalt  }
0x62: {  	_ =	shalt  }
0x63: {  	_ =	shalt  }
0x64: {  	_ =	shalt  }
0x65: {  	_ =	shalt  }
0x66: {  	_ =	shalt  }
0x67: {  	_ =	shalt  }
0x68: {  	_ =	shalt  }
0x69: {  	_ =	shalt  }
0x6a: {  	_ =	shalt  }
0x6b: {  	_ =	shalt  }
0x6c: {  	_ =	shalt  }
0x6d: {  	_ =	shalt  }
0x6e: {  	_ =	shalt  }
0x6f: {  	_ =	shalt  }
0x70: {  	_ =	shalt  }
0x71: {  	_ =	shalt  }
0x72: {  	_ =	shalt  }
0x73: {  	_ =	shalt  }
0x74: {  	_ =	shalt  }
0x75: {  	_ =	shalt  }
0x76: {  	_ =	shalt  }
0x77: {  	_ =	shalt  }
0x78: {  	_ =	shalt  }
0x79: {  	_ =	shalt  }
0x7a: {  	_ =	shalt  }
0x7b: {  	_ =	shalt  }
0x7c: {  	_ =	shalt  }
0x7d: {  	_ =	shalt  }
0x7e: {  	_ =	shalt  }
0x7f: {  	_ =	shalt  }
0x80: {  	_ =	shalt  }
0x81: {  	_ =	shalt  }
0x82: {  	_ =	shalt  }
0x83: {  	_ =	shalt  }
0x84: {  	_ =	shalt  }
0x85: {  	_ =	shalt  }
0x86: {  	_ =	shalt  }
0x87: {  	_ =	shalt  }
.Lfunc_end0:
.L_simem_size_0:
called_computation.1_lowered:
.L_overlay_start_0:
0x88: {  	s2 =	sld [smem:$0x3FD9]  }
0x89: {  	s3 =	sld [smem:$0x3FFE];
	_ =	sdelay $0x1  }
0x8a: {  	s1 =	srdreg.scid  }
0x8b: {  	s0 =	sand.u32 $0x1, s1  }
0x8c: {  	s17 =	sshll.u32 s0, $0xA;
	s2 =	sadd.s32 s3, s2  }
0x8d: {  	s2 =	sadd.s32 s2, s17  }
0x8e: {  	[smem:$0x3FBE] =	sst s2  }
0x8f: {  	_ = 	snop  }
0x90: {  	s2 =	sld [smem:$0x3FC9];
	(tm) =	ssettm $0x1  }
0x91: {  	s18 =	sld [smem:$0x3FFB];
	_ =	sdelay $0x3  }
0x92: {  	_ =	strace s18  }
0x93: {  	s3 =	sld [smem:$0x3FFC];
	_ =	sdelay $0x3  }
0x94: {  	_ =	strace s3  }
0x95: {  	s3 =	sld [smem:$0x3FFD];
	_ =	sdelay $0x3  }
0x96: {  	_ =	strace s3  }
0x97: {  	_ =	strace $0x8FFFFFFF  }
0x98: {  	s19 =	sld [smem:$0x3FDB];
	_ =	sdelay $0x1  }
0x99: {  	s4 =	simm.s32 $_scs_section_size  }
0x9a: {  	s5 =	simm.s32 $_size__tile_overlayer_lowered;
	s6 =	simm.s32 $_tile_overlayer_lowered  }
0x9b: {  	s22 =	simm.s32 $0x1BFF;
	s21 =	sshll.u32 s6, $0x1;
	s3 =	sadd.s32 s4, s19  }
0x9c: {  	s7 =	simm.s32 $0x0;
	s20 =	sshll.u32 s5, $0x1;
	s5 =	sadd.s32 s21, s3  }
0x9d: {  	[timem:s7], [sflag:s22] =	dma.local [hbm:s5], s20  }
0x9e: {  	_ =	swait.ge [sflag:s22], s20  }
0x9f: {  	s4 =	ssub.s32 $0x0, s20;
	[sflag:s22] =	ssyncset.done $0x0  }
0xa0: {  	[sflag:s22] =	ssyncadd.s32 s4;
	_ =	sdelay $0x1  }
0xa1: {  	s23 =	simm.s32 $0x1B8B  }
0xa2: {  	_ =	swait.ge [sflag:s23], $0x1  }
0xa3: {  	[sflag:s23] =	ssyncset.done $0x0  }
0xa4: {  	s25 =	simm.s32 $0x1B8E;
	s24 =	sld [smem:$0x3FFE];
	[sflag:s23] =	ssyncadd.s32 $0xFFFFFFFF  }
0xa5: {  	s26 =	simm.s32 $execute0_lowered;
	[smem:$0x3FD2] =	sst s25  }
0xa6: {  	s5 =	sshll.u32 s26, $0x1;
	_ =	strace $0x80000046;
	[dreg:$0x1] =	wrdreg $0xFFFFFFFF  }
0xa7: {  	s28 =	simm.s32 $_size_execute0_lowered;
	s3 =	sadd.s32 s3, s5;
	[dreg:$0x0] =	wrdreg $0x0  }
0xa8: {  	s5 =	sshll.u32 s28, $0x1;
	[dreg:$0x2] =	wrdreg s3  }
0xa9: {  	[dreg:$0x3] =	wrdreg s5  }
0xaa: {  	[dreg:$0x4] =	wrdreg $0xC0  }
0xab: {  	_ =	task [dreg:s7], $0x5FFFF  }
0xac: {  	[dreg:$0x1] =	wrdreg $0xFFFFFFFF  }
0xad: {  	[dreg:$0x0] =	wrdreg $0x60  }
0xae: {  	[dreg:$0x2] =	wrdreg s2  }
0xaf: {  	[dreg:$0x3] =	wrdreg s24  }
0xb0: {  	[dreg:$0x4] =	wrdreg $0x41000  }
0xb1: {  	[dreg:$0x5] =	wrdreg $0xA  }
0xb2: {  	_ =	task.clear_ibuf [dreg:s7], $0x6FFFF;
	_ =	strace $0x90000046  }
0xb3: {  	s29 =	simm.s32 $0xA;
	_ =	strace $0x80000048  }
0xb4: {  	_ =	swait.ge [sflag:s29], $0x1  }
0xb5: {  	[sflag:s29] =	ssyncadd.s32 $0xFFFFFFFF  }
0xb6: {  	_ =	strace $0x90000048  }
0xb7: {  	_ =	sfence  }
0xb8: {  	s30 =	sld [smem:$0x0];
	_ =	sdelay $0x2  }
0xb9: {  	s31 =	sshll.u32 s1, $0xD;
	s1 =	sshrl.u32 s1, $0x2  }
0xba: {  	s3 =	sand.u32 $0x4000, s31;
	s1 =	sadd.s32 s1, s30  }
0xbb: {  	s0 =	sor.u32 s3, s0;
	s1 =	sshll.u32 s1, $0x11  }
0xbc: {  	s0 =	sor.u32 s1, s0  }
0xbd: {  	s0 =	sadd.s32 $0x8F2B, s0  }
0xbe: {  	[sflag:s0] =	ssyncadd.remote.s32 $0x1  }
0xbf: {  	_ =	sfence.sel $0xFFFF  }
0xc0: {  	[dreg:$0x0] =	wrdreg $0xFFFFFFFF;
	(pc) =	sbr.abs _section_cstart, $3  }
0xc1: {  	[dreg:$0x1] =	wrdreg $0xFFFFFFFF  }
0xc2: {  	_ =	task.clear_ibuf [dreg:s7], $0x2FFFF;
	_ =	strace $0x9FFFFFFF  }
0xc3: {  	(tm) =	ssettm $0x7FFFFFFF  }
tec
execute0_lowered:
.L_overlay_start_1:
0x0: {  	(tag) =	ssettag $0x1  }
0x1: {  	s1 =	rddreg [dreg:$0x0]  }
0x2: {  	s2 =	srdreg.scid;
	s5 =	rddreg [dreg:$0x1]  }
0x3: {  	s0 =	stileid.u32;
	s3 =	rddreg [dreg:$0x2]  }
0x4: {  	s4 =	simm.s32 $0x0;
	s18 =	simm.s32 $0x2;
	s19 =	simm.s32 $0x80  }
0x5: {  	s20 =	simm.s32 $0x1;
	s21 =	simm.s32 $0x0;
	s10 =	sand.u32 $0x1, s2  }
0x6: {  	s6 =	sshll.u32 s0, $0x8;
	s2 =	rddreg [dreg:$0x3];
	s28 =	smul.u32 $0x4E000, s0  }
0x7: {  	[smem:$0x7FF] =	sst s4;
	s12 =	sadd.s32 $0x15E00, s5;
	s13 =	smul.u32 $0x2700, s0  }
0x8: {  	p0 =	slt.u32 s0, $0x2;
	s7 =	sshll.u32 s10, $0x7;
	s11 =	smul.u32 $0x138800, s10  }
0x9: {  	_ =	strace $0x80000047;
	s29 =	ssub.s32 $0x2, s10;
	s15 =	smul.u32 $0x27100, s10  }
0xa: {  	s10 =	sadd.s32 $0x138000, s3;
	s6 =	sor.u32 s7, s6;
	s30 =	sshrl.u32 s29, $0x1  }
0xb: {  	s7 =	sshrl.u32 s28, $0x2;
	s6 =	sshrl.u32 s6, $0x3;
	s14 =	ssub.s32 s29, s30  }
0xc: {  	s17 =	sshrl.u32 s11, $0x3;
	s11 =	simm.s32 $0x4F;
	s13 =	sadd.s32 s13, s15  }
0xd: {  	s16 =	sadd.s32 s6, s5;
	s5 =	sadd.s32 s7, s3;
	s31 =	sadd.s32 s12, s17  }
0xe: {  	s11 =	simm.s32 @!p0 $0x4E;
	s12 =	sadd.s32 s12, s13;
	s14 =	smax.u32 s14, $0x1  }
0xf: {  	p0 =	sne.s32 s0, $0xF;
	s17 =	simm.s32 $0x100;
	s6 =	sadd.s32 $0x4000, s5  }
0x10: {  	s7 =	sadd.s32 $0x8000, s5;
	s8 =	sadd.s32 $0xC000, s5;
	s9 =	sadd.s32 $0x10000, s5  }
0x11: {  	v0 =	vimm.f32 $0.0e+00;
	s13 =	sadd.s32 $0x27000, s31;
	s15 =	sadd.s32 $0x2200, s16;
	s16 =	sadd.s32 $0xC000, s16  }
.LBB2_1:
0x12: {  	s22 =	simm.s32 $0x0;
	s23 =	simm.s32 $0x200  }
.LBB2_2:
0x13: {  	p1 =	sne.s32 s23, $0xFE00;
	[tilespmem:s22+$0x170] =	vst v0  }
0x14: {  	[tilespmem:s22+$0x100] =	vst v0  }
0x15: {  	[tilespmem:s22+$0x110] =	vst v0  }
.Ltmp0:
0x16: {  	[tilespmem:s22+$0x120] =	vst v0;
	(pc) =	sbr.rel @p1 .LBB2_2-.Ltmp0, $4  }
0x17: {  	[tilespmem:s22+$0x130] =	vst v0  }
0x18: {  	[tilespmem:s22+$0x140] =	vst v0  }
0x19: {  	[tilespmem:s22+$0x150] =	vst v0  }
0x1a: {  	[tilespmem:s22+$0x160] =	vst v0;
	s22 =	sshra.s32 s23, $0x2;
	s23 =	sadd.s32 $0x200, s23  }
0x1b: {  	[tilespmem:s22+$0x170] =	vst v0  }
0x1c: {  	[tilespmem:s22+$0x100] =	vst v0  }
0x1d: {  	[tilespmem:s22+$0x110] =	vst v0  }
0x1e: {  	[tilespmem:s22+$0x120] =	vst v0  }
0x1f: {  	[tilespmem:s22+$0x130] =	vst v0  }
0x20: {  	[tilespmem:s22+$0x140] =	vst v0  }
0x21: {  	[tilespmem:s22+$0x150] =	vst v0  }
0x22: {  	[tilespmem:s22+$0x160] =	vst v0  }
0x23: {  	[spmem:s5] =	stream.linear.scatter [tilespmem:s17], [sflag:$0x2], $0x4000, $0x38;
	[tilespmem:$0x17980] =	vst v63  }
0x24: {  	_ =	swait.ge [sflag:s18], $0x4000  }
0x25: {  	[sflag:s18] =	ssyncset.done $0x0  }
0x26: {  	[sflag:s18] =	ssyncadd.s32 $0xFFFFC000  }
0x27: {  	[spmem:s6] =	stream.linear.scatter [tilespmem:s17], [sflag:$0x2], $0x4000, $0x38;
	[tilespmem:$0x17980] =	vst v63  }
0x28: {  	_ =	swait.ge [sflag:s18], $0x4000  }
0x29: {  	[sflag:s18] =	ssyncset.done $0x0  }
0x2a: {  	[sflag:s18] =	ssyncadd.s32 $0xFFFFC000  }
0x2b: {  	[spmem:s7] =	stream.linear.scatter [tilespmem:s17], [sflag:$0x2], $0x4000, $0x38;
	[tilespmem:$0x17980] =	vst v63  }
0x2c: {  	_ =	swait.ge [sflag:s18], $0x4000  }
0x2d: {  	[sflag:s18] =	ssyncset.done $0x0  }
0x2e: {  	[sflag:s18] =	ssyncadd.s32 $0xFFFFC000  }
0x2f: {  	[spmem:s8] =	stream.linear.scatter [tilespmem:s17], [sflag:$0x2], $0x4000, $0x38;
	[tilespmem:$0x17980] =	vst v63  }
0x30: {  	_ =	swait.ge [sflag:s18], $0x4000  }
0x31: {  	[sflag:s18] =	ssyncset.done $0x0  }
0x32: {  	[sflag:s18] =	ssyncadd.s32 $0xFFFFC000  }
0x33: {  	[spmem:s9] =	stream.linear.scatter [tilespmem:s17], [sflag:$0x2], $0x3800, $0x38;
	[tilespmem:$0x17980] =	vst v63  }
0x34: {  	_ =	swait.ge [sflag:s18], $0x3800  }
0x35: {  	[sflag:s18] =	ssyncset.done $0x0  }
0x36: {  	s22 =	simm.s32 @!p0 $0x100;
	[sflag:s18] =	ssyncadd.s32 $0xFFFFC800  }
0x37: {  	[spmem:s10] =	stream.linear.scatter @!p0 [tilespmem:s22], [sflag:$0x2], $0x800, $0x38;
	[tilespmem:$0x17980] =	vst v63  }
0x38: {  	s22 =	simm.s32 @!p0 $0x2  }
0x39: {  	_ =	swait.ge @!p0 [sflag:s22], $0x800  }
0x3a: {  	[sflag:s22] =	ssyncset.done @!p0 $0x0  }
0x3b: {  	[sflag:s22] =	ssyncadd.s32 @!p0 $0xFFFFF800  }
0x3c: {  	[bflag:$0x0] =	sbarrier.arrive $0xFFFF  }
0x3d: {  	[tilespmem:s4], [sflag:$0x2] =	stream.linear.gather [hbm4b:s16+s4], $0x80, $0x38;
	[tilespmem:$0x17980] =	vst v63  }
0x3e: {  	_ =	swait.ge [sflag:s18], $0x80  }
0x3f: {  	[sflag:s18] =	ssyncset.done $0x0  }
0x40: {  	[sflag:s18] =	ssyncadd.s32 $0xFFFFFF80  }
0x41: {  	[tilespmem:s19], [sflag:$0x2] =	stream.linear.gather [hbm4b:s15+s4], $0x80, $0x38;
	[tilespmem:$0x17980] =	vst v63  }
0x42: {  	_ =	swait.ge [sflag:s18], $0x80  }
0x43: {  	[sflag:s18] =	ssyncset.done $0x0  }
0x44: {  	[sflag:s18] =	ssyncadd.s32 $0xFFFFFF80  }
0x45: {  	[tilespmem:s17], [sflag:$0x1] =	stream.indirect.gather [hbm4b:s1+s19], $0x80, s4, s19, $0xb8;
	[tilespmem:$0x17980] =	vst v63  }
0x46: {  	p1 =	sne.s32 s11, $0x1;
	_ =	swait.ge [sflag:s20], $0x4000  }
.Ltmp1:
0x47: {  	[sflag:s20] =	ssyncset.done $0x0;
	(pc) =	sbr.rel @!p1 .LBB2_5-.Ltmp1, $4  }
0x48: {  	[sflag:s20] =	ssyncadd.s32 $0xFFFFC000  }
0x49: {  	[spmem:s3] =	stream.indirect.scatter.add.f32 [tilespmem:s17], [sflag:$0x2], $0x80, s19, s19, $0xb8;
	[tilespmem:$0x17980] =	vst v63  }
0x4a: {  	s23 =	sadd.s32 $0xFFFFFFFF, s11;
	_ =	swait.ge [sflag:s18], $0x4000  }
0x4b: {  	s24 =	smov.u32 s15;
	s25 =	smov.u32 s16;
	[sflag:s18] =	ssyncset.done $0x0  }
.LBB2_4:
0x4c: {  	[sflag:s18] =	ssyncadd.s32 $0xFFFFC000;
	s24 =	sadd.s32 $0x200, s24;
	s25 =	sadd.s32 $0x200, s25  }
0x4d: {  	[tilespmem:s4], [sflag:$0x2] =	stream.linear.gather [hbm4b:s25+s4], $0x80, $0x38;
	[tilespmem:$0x17980] =	vst v63  }
0x4e: {  	p1 =	sne.s32 s23, $0x1;
	s23 =	sadd.s32 $0xFFFFFFFF, s23;
	_ =	swait.ge [sflag:s18], $0x80  }
0x4f: {  	[sflag:s18] =	ssyncset.done $0x0  }
0x50: {  	[sflag:s18] =	ssyncadd.s32 $0xFFFFFF80  }
0x51: {  	[tilespmem:s19], [sflag:$0x2] =	stream.linear.gather [hbm4b:s24+s4], $0x80, $0x38;
	[tilespmem:$0x17980] =	vst v63  }
0x52: {  	_ =	swait.ge [sflag:s18], $0x80  }
0x53: {  	[sflag:s18] =	ssyncset.done $0x0  }
0x54: {  	[sflag:s18] =	ssyncadd.s32 $0xFFFFFF80  }
0x55: {  	[tilespmem:s17], [sflag:$0x1] =	stream.indirect.gather [hbm4b:s1+s19], $0x80, s4, s19, $0xb8;
	[tilespmem:$0x17980] =	vst v63  }
0x56: {  	_ =	swait.ge [sflag:s20], $0x4000  }
.Ltmp2:
0x57: {  	[sflag:s20] =	ssyncset.done $0x0;
	(pc) =	sbr.rel @p1 .LBB2_4-.Ltmp2, $4  }
0x58: {  	[sflag:s20] =	ssyncadd.s32 $0xFFFFC000  }
0x59: {  	[spmem:s3] =	stream.indirect.scatter.add.f32 [tilespmem:s17], [sflag:$0x2], $0x80, s19, s19, $0xb8;
	[tilespmem:$0x17980] =	vst v63  }
0x5a: {  	_ =	swait.ge [sflag:s18], $0x4000  }
0x5b: {  	[sflag:s18] =	ssyncset.done $0x0  }
.LBB2_5:
0x5c: {  	[sflag:s18] =	ssyncadd.s32 $0xFFFFC000;
	s23 =	sshll.u32 s0, $0x6  }
0x5d: {  	s24 =	sshrl.u32 s5, $0x3;
	[bflag:$0x0] =	sbarrier.arrive $0xFFFF;
	s23 =	sor.u32 $0x1C02, s23  }
0x5e: {  	[hbm:s12], [sflag:s23] =	dma.local [spmem:s24], $0x2700  }
0x5f: {  	s21 =	sadd.s32 $0x1, s21;
	_ =	swait.ge [sflag:s18], $0x2700  }
0x60: {  	p1 =	sne.s32 s21, s14;
	[sflag:s18] =	ssyncset.done $0x0  }
.Ltmp3:
0x61: {  	s24 =	sshrl.u32 @!p0 s10, $0x3;
	[sflag:s18] =	ssyncadd.s32 $0xFFFFD900;
	(pc) =	sbr.rel @p1 .LBB2_1-.Ltmp3, $4  }
0x62: {  	[hbm:s13], [sflag:s23] =	dma.local @!p0 [spmem:s24], $0x100  }
0x63: {  	_ =	swait.ge @!p0 [sflag:s22], $0x100  }
0x64: {  	[sflag:s22] =	ssyncset.done @!p0 $0x0  }
0x65: {  	[sflag:s22] =	ssyncadd.s32 @!p0 $0xFFFFFF00  }
0x66: {  	_ =	sfence.sel $0x180000  }
0x67: {  	[bflag:$0x0] =	sbarrier.arrive $0xFFFF  }
0x68: {  	p0 =	sne.s32 s0, $0x0;
	_ =	strace $0x90000047  }
0x69: {  	s0 =	sadd.s32 @!p0 $0x100000, s2;
	[bflag:$0x2] =	sbarrier.arrive $0xFFFF  }
0x6a: {  	[sflag:s0] =	ssyncadd.tile.s32 @!p0 $0x1;
	_ =	shalt  }
.Lfunc_end2:
_tile_overlayer_lowered:
.L_overlay_start_2:
0x6b: {  	(tag) =	ssettag $0x2  }
0x6c: {  	s0 =	rddreg [dreg:$0x0];
	s2 =	stileid.u32  }
0x6d: {  	s1 =	rddreg [dreg:$0x1];
	p0 =	sne.s32 s2, $0x0  }
0x6e: {  	s3 =	rddreg [dreg:$0x2];
	[bflag:$0x3] =	sbarrier.arrive $0xFFFF;
	s2 =	simm.s32 @!p0 $0x1C02  }
0x6f: {  	[timem:s3], [sflag:s2] =	dma.local @!p0 [hbm:s0], s1  }
0x70: {  	s0 =	simm.s32 @!p0 $0x2  }
0x71: {  	_ =	swait.ge @!p0 [sflag:s0], s1  }
0x72: {  	s1 =	ssub.s32 @!p0 $0x0, s1;
	[sflag:s0] =	ssyncset.done @!p0 $0x0  }
0x73: {  	[sflag:s0] =	ssyncadd.s32 @!p0 s1  }
0x74: {  	[bflag:$0x3] =	sbarrier.arrive $0xFFFF  }
0x75: {  	_ =	shalt  }

// kernel: kernel.13.cloned.1.call-start
scs
__scs_entry_jumppad:
0x0: {  	(pc) =	sbr.rel $0x88, $3  }
0x1: {  	(tag) =	ssettag $0x0;
	lr =	simm.s32 $0x1  }
0x2: {  	[smem:$0x3F97] =	sst lr;
	_ =	strace $0xD0000000  }
0x3: {  	_ = 	snop  }
0x4: {  	_ = 	snop  }
0x5: {  	_ = 	snop  }
0x6: {  	_ = 	snop  }
0x7: {  	_ = 	snop  }
__scs_overlays_trampoline_lowered:
0x8: {  	[smem:$0x3FA6] =	sst s0  }
0x9: {  	[smem:$0x3FA7] =	sst s1  }
0xa: {  	[smem:$0x3FA8] =	sst s2  }
0xb: {  	[smem:$0x3FA9] =	sst s3  }
0xc: {  	[smem:$0x3FAA] =	sst s4  }
0xd: {  	[smem:$0x3FAB] =	sst s5  }
0xe: {  	[smem:$0x3FAC] =	sst s6  }
0xf: {  	[smem:$0x3FAD] =	sst s7  }
0x10: {  	[smem:$0x3FAE] =	sst s8  }
0x11: {  	[smem:$0x3FAF] =	sst s9;
	s0 =	simm.s32 @!p0 $0x0  }
0x12: {  	s1 =	sld [smem:$0x3F95];
	s0 =	simm.s32 @p0 $0x1  }
0x13: {  	[smem:$0x3FB0] =	sst s0;
	s0 =	simm.s32 @!p1 $0x0  }
0x14: {  	s2 =	sld [smem:$0x3F94];
	s0 =	simm.s32 @p1 $0x1  }
0x15: {  	[smem:$0x3FB1] =	sst s0;
	s0 =	simm.s32 @!p2 $0x0  }
0x16: {  	s3 =	sld [smem:$0x3FDB];
	s0 =	simm.s32 @p2 $0x1  }
0x17: {  	s4 =	simm.s32 $0x1BF5;
	[smem:$0x3FB3] =	sst s0  }
0x18: {  	s0 =	sld [smem:$0x3F96];
	_ =	swait.ge [sflag:s4], $0x0  }
0x19: {  	s7 =	sld [smem:$0x3F97]  }
0x1a: {  	s8 =	sadd.s32 $0xFFFFE003, lr  }
0x1b: {  	s9 =	sadd.s32 $0xFFFFFEF7, lr;
	s5 =	simm.s32 $0xFFFFFFFF;
	p2 =	slt.u32 s8, $0xFFFFF086  }
0x1c: {  	p1 =	slt.u32 s9, $0xF7A;
	s5 =	simm.s32 @!p2 $0x0  }
0x1d: {  	s5 =	simm.s32 @p1 $0x1;
	p0 =	seq.s32 s7, s2  }
0x1e: {  	s7 =	smul.u32 @!p0 $0xF7A, s2;
	p2 =	seq.s32 @!p0 s5, $0x0  }
0x1f: {  	s9 =	smul.u32 $0xF7A, s1;
	s8 =	simm.s32 @!p0 $0x1BF5;
	p2 =	por !p2, p0  }
0x20: {  	[sflag:s8] =	ssyncset.s32 @!p0 $0xFFFFF086;
	s6 =	sadd.s32 @!p0 s3, s7;
	s7 =	simm.s32 @!p0 $0x108  }
0x21: {  	s3 =	sadd.s32 s3, s9;
	s6 =	sadd.s32 @!p0 $0x88, s6;
	s7 =	simm.s32 @p2 $0x1082  }
0x22: {  	[simem:s7], [sflag:s8] =	dma.local @!p0 [hbm:s6], $0xF7A  }
0x23: {  	s9 =	sor.u32 $0xD0000000, s2;
	s6 =	simm.s32 $0x108;
	_ =	swait.ge @!p0 [sflag:s8], $0x0  }
0x24: {  	s3 =	sadd.s32 $0x88, s3;
	s6 =	simm.s32 @!p1 $0x1082;
	[sflag:s4] =	ssyncset.s32 $0xFFFFF086  }
0x25: {  	[simem:s6], [sflag:s4] =	dma.local [hbm:s3], $0xF7A  }
0x26: {  	[smem:$0x3F97] =	sst s1;
	(tag) =	ssettag s2;
	_ =	strace s9  }
0x27: {  	s1 =	sld [smem:$0x3FA7]  }
0x28: {  	s2 =	sld [smem:$0x3FA8]  }
0x29: {  	s4 =	sld [smem:$0x3FAA]  }
0x2a: {  	p0 =	seq.s32 s5, $0x0;
	s5 =	sld [smem:$0x3FAB]  }
0x2b: {  	s6 =	sld [smem:$0x3FAC]  }
0x2c: {  	s7 =	sld [smem:$0x3FAD]  }
0x2d: {  	s3 =	simm.s32 $0x108;
	s8 =	sld [smem:$0x3FAE]  }
0x2e: {  	s3 =	simm.s32 @!p0 $0x1082;
	s9 =	sld [smem:$0x3FAF]  }
0x2f: {  	lr =	sadd.s32 s0, s3;
	s0 =	sld [smem:$0x3FA6]  }
0x30: {  	s3 =	sld [smem:$0x3FA9]  }
0x31: {  	[smem:$0x3FB2] =	sst s10  }
0x32: {  	s10 =	sld [smem:$0x3FB0];
	_ =	sdelay $0x3  }
0x33: {  	p0 =	seq.s32 s10, $0x1;
	s10 =	sld [smem:$0x3FB2];
	_ =	sdelay $0x3  }
0x34: {  	[smem:$0x3FB2] =	sst s10  }
0x35: {  	s10 =	sld [smem:$0x3FB1];
	_ =	sdelay $0x3  }
0x36: {  	p1 =	seq.s32 s10, $0x1;
	s10 =	sld [smem:$0x3FB2];
	_ =	sdelay $0x3  }
0x37: {  	[smem:$0x3FB2] =	sst s10  }
0x38: {  	s10 =	sld [smem:$0x3FB3]  }
0x39: {  	_ = 	snop;
	(pc) =	sbr.ind lr, $3  }
0x3a: {  	_ = 	snop  }
0x3b: {  	_ = 	snop  }
0x3c: {  	p2 =	seq.s32 s10, $0x1;
	s10 =	sld [smem:$0x3FB2]  }
0x3d: {  	_ =	shalt  }
0x3e: {  	_ =	shalt  }
0x3f: {  	_ =	shalt  }
0x40: {  	_ =	shalt  }
0x41: {  	_ =	shalt  }
0x42: {  	_ =	shalt  }
0x43: {  	_ =	shalt  }
0x44: {  	_ =	shalt  }
0x45: {  	_ =	shalt  }
0x46: {  	_ =	shalt  }
0x47: {  	_ =	shalt  }
0x48: {  	_ =	shalt  }
0x49: {  	_ =	shalt  }
0x4a: {  	_ =	shalt  }
0x4b: {  	_ =	shalt  }
0x4c: {  	_ =	shalt  }
0x4d: {  	_ =	shalt  }
0x4e: {  	_ =	shalt  }
0x4f: {  	_ =	shalt  }
0x50: {  	_ =	shalt  }
0x51: {  	_ =	shalt  }
0x52: {  	_ =	shalt  }
0x53: {  	_ =	shalt  }
0x54: {  	_ =	shalt  }
0x55: {  	_ =	shalt  }
0x56: {  	_ =	shalt  }
0x57: {  	_ =	shalt  }
0x58: {  	_ =	shalt  }
0x59: {  	_ =	shalt  }
0x5a: {  	_ =	shalt  }
0x5b: {  	_ =	shalt  }
0x5c: {  	_ =	shalt  }
0x5d: {  	_ =	shalt  }
0x5e: {  	_ =	shalt  }
0x5f: {  	_ =	shalt  }
0x60: {  	_ =	shalt  }
0x61: {  	_ =	shalt  }
0x62: {  	_ =	shalt  }
0x63: {  	_ =	shalt  }
0x64: {  	_ =	shalt  }
0x65: {  	_ =	shalt  }
0x66: {  	_ =	shalt  }
0x67: {  	_ =	shalt  }
0x68: {  	_ =	shalt  }
0x69: {  	_ =	shalt  }
0x6a: {  	_ =	shalt  }
0x6b: {  	_ =	shalt  }
0x6c: {  	_ =	shalt  }
0x6d: {  	_ =	shalt  }
0x6e: {  	_ =	shalt  }
0x6f: {  	_ =	shalt  }
0x70: {  	_ =	shalt  }
0x71: {  	_ =	shalt  }
0x72: {  	_ =	shalt  }
0x73: {  	_ =	shalt  }
0x74: {  	_ =	shalt  }
0x75: {  	_ =	shalt  }
0x76: {  	_ =	shalt  }
0x77: {  	_ =	shalt  }
0x78: {  	_ =	shalt  }
0x79: {  	_ =	shalt  }
0x7a: {  	_ =	shalt  }
0x7b: {  	_ =	shalt  }
0x7c: {  	_ =	shalt  }
0x7d: {  	_ =	shalt  }
0x7e: {  	_ =	shalt  }
0x7f: {  	_ =	shalt  }
0x80: {  	_ =	shalt  }
0x81: {  	_ =	shalt  }
0x82: {  	_ =	shalt  }
0x83: {  	_ =	shalt  }
0x84: {  	_ =	shalt  }
0x85: {  	_ =	shalt  }
0x86: {  	_ =	shalt  }
0x87: {  	_ =	shalt  }
.Lfunc_end0:
.L_simem_size_0:
called_computation.2_lowered:
.L_overlay_start_0:
0x88: {  	s2 =	sld [smem:$0x3FD9]  }
0x89: {  	s3 =	sld [smem:$0x3FFE];
	_ =	sdelay $0x1  }
0x8a: {  	s1 =	srdreg.scid  }
0x8b: {  	s0 =	sand.u32 $0x1, s1  }
0x8c: {  	s16 =	sshll.u32 s0, $0xA;
	s2 =	sadd.s32 s3, s2  }
0x8d: {  	s2 =	sadd.s32 s2, s16  }
0x8e: {  	[smem:$0x3FBE] =	sst s2  }
0x8f: {  	_ = 	snop  }
0x90: {  	(tm) =	ssettm $0x1  }
0x91: {  	s17 =	sld [smem:$0x3FFB];
	_ =	sdelay $0x3  }
0x92: {  	_ =	strace s17  }
0x93: {  	s2 =	sld [smem:$0x3FFC];
	_ =	sdelay $0x3  }
0x94: {  	_ =	strace s2  }
0x95: {  	s2 =	sld [smem:$0x3FFD];
	_ =	sdelay $0x3  }
0x96: {  	_ =	strace s2  }
0x97: {  	_ =	strace $0x8FFFFFFF  }
0x98: {  	s18 =	sld [smem:$0x3FDB];
	_ =	sdelay $0x1  }
0x99: {  	s19 =	simm.s32 $_scs_section_size  }
0x9a: {  	s4 =	simm.s32 $_size__tile_overlayer_lowered;
	s5 =	simm.s32 $_tile_overlayer_lowered  }
0x9b: {  	s22 =	simm.s32 $0x1BFF;
	s21 =	sshll.u32 s5, $0x1;
	s2 =	sadd.s32 s19, s18  }
0x9c: {  	s6 =	simm.s32 $0x0;
	s20 =	sshll.u32 s4, $0x1;
	s4 =	sadd.s32 s21, s2  }
0x9d: {  	[timem:s6], [sflag:s22] =	dma.local [hbm:s4], s20  }
0x9e: {  	_ =	swait.ge [sflag:s22], s20  }
0x9f: {  	s3 =	ssub.s32 $0x0, s20;
	[sflag:s22] =	ssyncset.done $0x0  }
0xa0: {  	[sflag:s22] =	ssyncadd.s32 s3;
	_ =	sdelay $0x1  }
0xa1: {  	s23 =	simm.s32 $0x1B8B  }
0xa2: {  	_ =	swait.ge [sflag:s23], $0x1  }
0xa3: {  	[sflag:s23] =	ssyncset.done $0x0  }
0xa4: {  	s25 =	simm.s32 $0x1B8E;
	s24 =	sld [smem:$0x3FFE];
	[sflag:s23] =	ssyncadd.s32 $0xFFFFFFFF  }
0xa5: {  	s26 =	simm.s32 $execute0_lowered;
	[smem:$0x3FD2] =	sst s25  }
0xa6: {  	s4 =	sshll.u32 s26, $0x1;
	_ =	strace $0x8000004C;
	[dreg:$0x1] =	wrdreg $0xFFFFFFFF  }
0xa7: {  	s28 =	simm.s32 $_size_execute0_lowered;
	s2 =	sadd.s32 s2, s4;
	[dreg:$0x0] =	wrdreg $0x0  }
0xa8: {  	s4 =	sshll.u32 s28, $0x1;
	[dreg:$0x2] =	wrdreg s2  }
0xa9: {  	[dreg:$0x3] =	wrdreg s4  }
0xaa: {  	[dreg:$0x4] =	wrdreg $0xC0  }
0xab: {  	_ =	task [dreg:s6], $0x5FFFF  }
0xac: {  	[dreg:$0x1] =	wrdreg $0xFFFFFFFF  }
0xad: {  	[dreg:$0x0] =	wrdreg $0x60  }
0xae: {  	[dreg:$0x2] =	wrdreg s24  }
0xaf: {  	[dreg:$0x3] =	wrdreg $0x41000  }
0xb0: {  	[dreg:$0x4] =	wrdreg $0x9  }
0xb1: {  	_ =	task.clear_ibuf [dreg:s6], $0x5FFFF;
	_ =	strace $0x9000004C  }
0xb2: {  	s29 =	simm.s32 $0x9;
	_ =	strace $0x8000004E  }
0xb3: {  	_ =	swait.ge [sflag:s29], $0x1  }
0xb4: {  	[sflag:s29] =	ssyncadd.s32 $0xFFFFFFFF  }
0xb5: {  	_ =	strace $0x9000004E  }
0xb6: {  	_ =	sfence  }
0xb7: {  	s30 =	sld [smem:$0x0];
	_ =	sdelay $0x2  }
0xb8: {  	s31 =	sshll.u32 s1, $0xD;
	s1 =	sshrl.u32 s1, $0x2  }
0xb9: {  	s3 =	sand.u32 $0x4000, s31;
	s1 =	sadd.s32 s1, s30  }
0xba: {  	s0 =	sor.u32 s3, s0;
	s1 =	sshll.u32 s1, $0x11  }
0xbb: {  	s0 =	sor.u32 s1, s0  }
0xbc: {  	s0 =	sadd.s32 $0x8F2B, s0  }
0xbd: {  	[sflag:s0] =	ssyncadd.remote.s32 $0x1  }
0xbe: {  	_ =	sfence.sel $0xFFFF  }
0xbf: {  	[dreg:$0x0] =	wrdreg $0xFFFFFFFF;
	(pc) =	sbr.abs _section_cstart, $3  }
0xc0: {  	[dreg:$0x1] =	wrdreg $0xFFFFFFFF  }
0xc1: {  	_ =	task.clear_ibuf [dreg:s6], $0x2FFFF;
	_ =	strace $0x9FFFFFFF  }
0xc2: {  	(tm) =	ssettm $0x7FFFFFFF  }
0xc3: {  	_ =	shalt  }
tec
execute0_lowered:
.L_overlay_start_1:
0x0: {  	(tag) =	ssettag $0x1  }
0x1: {  	s5 =	rddreg [dreg:$0x0]  }
0x2: {  	s2 =	rddreg [dreg:$0x1];
	s3 =	srdreg.scid  }
0x3: {  	s0 =	rddreg [dreg:$0x2];
	s1 =	stileid.u32  }
0x4: {  	s18 =	simm.s32 $0x2;
	s19 =	simm.s32 $0x80;
	s20 =	simm.s32 $0x1  }
0x5: {  	s21 =	simm.s32 $0x0;
	s10 =	sand.u32 $0x1, s3;
	s3 =	simm.s32 $0x0  }
0x6: {  	s4 =	sshll.u32 s1, $0x8;
	s7 =	smul.u32 $0x4E000, s1;
	s12 =	sadd.s32 $0x3D000, s5  }
0x7: {  	s13 =	smul.u32 $0x2700, s1;
	p0 =	slt.u32 s1, $0x2;
	s6 =	sshll.u32 s10, $0x7  }
0x8: {  	[smem:$0x7FF] =	sst s3;
	s29 =	ssub.s32 $0x2, s10;
	s11 =	smul.u32 $0x138800, s10  }
0x9: {  	s15 =	smul.u32 $0x27100, s10;
	s10 =	sadd.s32 $0x138000, s2;
	s4 =	sor.u32 s6, s4  }
0xa: {  	_ =	strace $0x8000004D;
	s30 =	sshrl.u32 s29, $0x1;
	s7 =	sshrl.u32 s7, $0x2  }
0xb: {  	s6 =	sshrl.u32 s4, $0x3;
	s4 =	sadd.s32 $0x15E00, s5;
	s14 =	ssub.s32 s29, s30  }
0xc: {  	s17 =	sshrl.u32 s11, $0x3;
	s11 =	simm.s32 $0x4F;
	s13 =	sadd.s32 s13, s15  }
0xd: {  	s16 =	sadd.s32 s6, s5;
	s5 =	sadd.s32 s7, s2;
	s31 =	sadd.s32 s12, s17  }
0xe: {  	s11 =	simm.s32 @!p0 $0x4E;
	s12 =	sadd.s32 s12, s13;
	s14 =	smax.u32 s14, $0x1  }
0xf: {  	p0 =	sne.s32 s1, $0xF;
	s17 =	simm.s32 $0x100;
	s6 =	sadd.s32 $0x4000, s5  }
0x10: {  	s7 =	sadd.s32 $0x8000, s5;
	s8 =	sadd.s32 $0xC000, s5;
	s9 =	sadd.s32 $0x10000, s5  }
0x11: {  	v0 =	vimm.f32 $0.0e+00;
	s13 =	sadd.s32 $0x27000, s31;
	s15 =	sadd.s32 $0x2200, s16;
	s16 =	sadd.s32 $0xC000, s16  }
.LBB2_1:
0x12: {  	s22 =	simm.s32 $0x0;
	s23 =	simm.s32 $0x200  }
.LBB2_2:
0x13: {  	p1 =	sne.s32 s23, $0xFE00;
	[tilespmem:s22+$0x170] =	vst v0  }
0x14: {  	[tilespmem:s22+$0x100] =	vst v0  }
0x15: {  	[tilespmem:s22+$0x110] =	vst v0  }
.Ltmp0:
0x16: {  	[tilespmem:s22+$0x120] =	vst v0;
	(pc) =	sbr.rel @p1 .LBB2_2-.Ltmp0, $4  }
0x17: {  	[tilespmem:s22+$0x130] =	vst v0  }
0x18: {  	[tilespmem:s22+$0x140] =	vst v0  }
0x19: {  	[tilespmem:s22+$0x150] =	vst v0  }
0x1a: {  	[tilespmem:s22+$0x160] =	vst v0;
	s22 =	sshra.s32 s23, $0x2;
	s23 =	sadd.s32 $0x200, s23  }
0x1b: {  	[tilespmem:s22+$0x170] =	vst v0  }
0x1c: {  	[tilespmem:s22+$0x100] =	vst v0  }
0x1d: {  	[tilespmem:s22+$0x110] =	vst v0  }
0x1e: {  	[tilespmem:s22+$0x120] =	vst v0  }
0x1f: {  	[tilespmem:s22+$0x130] =	vst v0  }
0x20: {  	[tilespmem:s22+$0x140] =	vst v0  }
0x21: {  	[tilespmem:s22+$0x150] =	vst v0  }
0x22: {  	[tilespmem:s22+$0x160] =	vst v0  }
0x23: {  	[spmem:s5] =	stream.linear.scatter [tilespmem:s17], [sflag:$0x2], $0x4000, $0x38;
	[tilespmem:$0x17980] =	vst v63  }
0x24: {  	_ =	swait.ge [sflag:s18], $0x4000  }
0x25: {  	[sflag:s18] =	ssyncset.done $0x0  }
0x26: {  	[sflag:s18] =	ssyncadd.s32 $0xFFFFC000  }
0x27: {  	[spmem:s6] =	stream.linear.scatter [tilespmem:s17], [sflag:$0x2], $0x4000, $0x38;
	[tilespmem:$0x17980] =	vst v63  }
0x28: {  	_ =	swait.ge [sflag:s18], $0x4000  }
0x29: {  	[sflag:s18] =	ssyncset.done $0x0  }
0x2a: {  	[sflag:s18] =	ssyncadd.s32 $0xFFFFC000  }
0x2b: {  	[spmem:s7] =	stream.linear.scatter [tilespmem:s17], [sflag:$0x2], $0x4000, $0x38;
	[tilespmem:$0x17980] =	vst v63  }
0x2c: {  	_ =	swait.ge [sflag:s18], $0x4000  }
0x2d: {  	[sflag:s18] =	ssyncset.done $0x0  }
0x2e: {  	[sflag:s18] =	ssyncadd.s32 $0xFFFFC000  }
0x2f: {  	[spmem:s8] =	stream.linear.scatter [tilespmem:s17], [sflag:$0x2], $0x4000, $0x38;
	[tilespmem:$0x17980] =	vst v63  }
0x30: {  	_ =	swait.ge [sflag:s18], $0x4000  }
0x31: {  	[sflag:s18] =	ssyncset.done $0x0  }
0x32: {  	[sflag:s18] =	ssyncadd.s32 $0xFFFFC000  }
0x33: {  	[spmem:s9] =	stream.linear.scatter [tilespmem:s17], [sflag:$0x2], $0x3800, $0x38;
	[tilespmem:$0x17980] =	vst v63  }
0x34: {  	_ =	swait.ge [sflag:s18], $0x3800  }
0x35: {  	[sflag:s18] =	ssyncset.done $0x0  }
0x36: {  	s22 =	simm.s32 @!p0 $0x100;
	[sflag:s18] =	ssyncadd.s32 $0xFFFFC800  }
0x37: {  	[spmem:s10] =	stream.linear.scatter @!p0 [tilespmem:s22], [sflag:$0x2], $0x800, $0x38;
	[tilespmem:$0x17980] =	vst v63  }
0x38: {  	s22 =	simm.s32 @!p0 $0x2  }
0x39: {  	_ =	swait.ge @!p0 [sflag:s22], $0x800  }
0x3a: {  	[sflag:s22] =	ssyncset.done @!p0 $0x0  }
0x3b: {  	[sflag:s22] =	ssyncadd.s32 @!p0 $0xFFFFF800  }
0x3c: {  	[bflag:$0x0] =	sbarrier.arrive $0xFFFF  }
0x3d: {  	[tilespmem:s3], [sflag:$0x2] =	stream.linear.gather [hbm4b:s16+s3], $0x80, $0x38;
	[tilespmem:$0x17980] =	vst v63  }
0x3e: {  	_ =	swait.ge [sflag:s18], $0x80  }
0x3f: {  	[sflag:s18] =	ssyncset.done $0x0  }
0x40: {  	[sflag:s18] =	ssyncadd.s32 $0xFFFFFF80  }
0x41: {  	[tilespmem:s19], [sflag:$0x2] =	stream.linear.gather [hbm4b:s15+s3], $0x80, $0x38;
	[tilespmem:$0x17980] =	vst v63  }
0x42: {  	_ =	swait.ge [sflag:s18], $0x80  }
0x43: {  	[sflag:s18] =	ssyncset.done $0x0  }
0x44: {  	[sflag:s18] =	ssyncadd.s32 $0xFFFFFF80  }
0x45: {  	[tilespmem:s17], [sflag:$0x1] =	stream.indirect.gather [hbm4b:s4+s19], $0x80, s3, s19, $0xb8;
	[tilespmem:$0x17980] =	vst v63  }
0x46: {  	p1 =	sne.s32 s11, $0x1;
	_ =	swait.ge [sflag:s20], $0x4000  }
.Ltmp1:
0x47: {  	[sflag:s20] =	ssyncset.done $0x0;
	(pc) =	sbr.rel @!p1 .LBB2_5-.Ltmp1, $4  }
0x48: {  	[sflag:s20] =	ssyncadd.s32 $0xFFFFC000  }
0x49: {  	[spmem:s2] =	stream.indirect.scatter.add.f32 [tilespmem:s17], [sflag:$0x2], $0x80, s19, s19, $0xb8;
	[tilespmem:$0x17980] =	vst v63  }
0x4a: {  	s23 =	sadd.s32 $0xFFFFFFFF, s11;
	_ =	swait.ge [sflag:s18], $0x4000  }
0x4b: {  	s24 =	smov.u32 s15;
	s25 =	smov.u32 s16;
	[sflag:s18] =	ssyncset.done $0x0  }
.LBB2_4:
0x4c: {  	[sflag:s18] =	ssyncadd.s32 $0xFFFFC000;
	s24 =	sadd.s32 $0x200, s24;
	s25 =	sadd.s32 $0x200, s25  }
0x4d: {  	[tilespmem:s3], [sflag:$0x2] =	stream.linear.gather [hbm4b:s25+s3], $0x80, $0x38;
	[tilespmem:$0x17980] =	vst v63  }
0x4e: {  	p1 =	sne.s32 s23, $0x1;
	s23 =	sadd.s32 $0xFFFFFFFF, s23;
	_ =	swait.ge [sflag:s18], $0x80  }
0x4f: {  	[sflag:s18] =	ssyncset.done $0x0  }
0x50: {  	[sflag:s18] =	ssyncadd.s32 $0xFFFFFF80  }
0x51: {  	[tilespmem:s19], [sflag:$0x2] =	stream.linear.gather [hbm4b:s24+s3], $0x80, $0x38;
	[tilespmem:$0x17980] =	vst v63  }
0x52: {  	_ =	swait.ge [sflag:s18], $0x80  }
0x53: {  	[sflag:s18] =	ssyncset.done $0x0  }
0x54: {  	[sflag:s18] =	ssyncadd.s32 $0xFFFFFF80  }
0x55: {  	[tilespmem:s17], [sflag:$0x1] =	stream.indirect.gather [hbm4b:s4+s19], $0x80, s3, s19, $0xb8;
	[tilespmem:$0x17980] =	vst v63  }
0x56: {  	_ =	swait.ge [sflag:s20], $0x4000  }
.Ltmp2:
0x57: {  	[sflag:s20] =	ssyncset.done $0x0;
	(pc) =	sbr.rel @p1 .LBB2_4-.Ltmp2, $4  }
0x58: {  	[sflag:s20] =	ssyncadd.s32 $0xFFFFC000  }
0x59: {  	[spmem:s2] =	stream.indirect.scatter.add.f32 [tilespmem:s17], [sflag:$0x2], $0x80, s19, s19, $0xb8;
	[tilespmem:$0x17980] =	vst v63  }
0x5a: {  	_ =	swait.ge [sflag:s18], $0x4000  }
0x5b: {  	[sflag:s18] =	ssyncset.done $0x0  }
.LBB2_5:
0x5c: {  	[sflag:s18] =	ssyncadd.s32 $0xFFFFC000;
	s23 =	sshll.u32 s1, $0x6  }
0x5d: {  	s24 =	sshrl.u32 s5, $0x3;
	[bflag:$0x0] =	sbarrier.arrive $0xFFFF;
	s23 =	sor.u32 $0x1C02, s23  }
0x5e: {  	[hbm:s12], [sflag:s23] =	dma.local [spmem:s24], $0x2700  }
0x5f: {  	s21 =	sadd.s32 $0x1, s21;
	_ =	swait.ge [sflag:s18], $0x2700  }
0x60: {  	p1 =	sne.s32 s21, s14;
	[sflag:s18] =	ssyncset.done $0x0  }
.Ltmp3:
0x61: {  	s24 =	sshrl.u32 @!p0 s10, $0x3;
	[sflag:s18] =	ssyncadd.s32 $0xFFFFD900;
	(pc) =	sbr.rel @p1 .LBB2_1-.Ltmp3, $4  }
0x62: {  	[hbm:s13], [sflag:s23] =	dma.local @!p0 [spmem:s24], $0x100  }
0x63: {  	_ =	swait.ge @!p0 [sflag:s22], $0x100  }
0x64: {  	[sflag:s22] =	ssyncset.done @!p0 $0x0  }
0x65: {  	[sflag:s22] =	ssyncadd.s32 @!p0 $0xFFFFFF00  }
0x66: {  	_ =	sfence.sel $0x180000  }
0x67: {  	[bflag:$0x0] =	sbarrier.arrive $0xFFFF  }
0x68: {  	p0 =	sne.s32 s1, $0x0;
	_ =	strace $0x9000004D  }
0x69: {  	s0 =	sadd.s32 @!p0 $0x100000, s0;
	[bflag:$0x2] =	sbarrier.arrive $0xFFFF  }
0x6a: {  	[sflag:s0] =	ssyncadd.tile.s32 @!p0 $0x1;
	_ =	shalt  }
.Lfunc_end2:
_tile_overlayer_lowered:
.L_overlay_start_2:
0x6b: {  	(tag) =	ssettag $0x2  }
0x6c: {  	s0 =	rddreg [dreg:$0x0];
	s2 =	stileid.u32  }
0x6d: {  	s1 =	rddreg [dreg:$0x1];
	p0 =	sne.s32 s2, $0x0  }
0x6e: {  	s3 =	rddreg [dreg:$0x2];
	[bflag:$0x3] =	sbarrier.arrive $0xFFFF;
	s2 =	simm.s32 @!p0 $0x1C02  }
0x6f: {  	[timem:s3], [sflag:s2] =	dma.local @!p0 [hbm:s0], s1  }
0x70: {  	s0 =	simm.s32 @!p0 $0x2  }
0x71: {  	_ =	swait.ge @!p0 [sflag:s0], s1  }
0x72: {  	s1 =	ssub.s32 @!p0 $0x0, s1;
	[sflag:s0] =	ssyncset.done @!p0 $0x0  }
0x73: {  	[sflag:s0] =	ssyncadd.s32 @!p0 s1  }
0x74: {  	[bflag:$0x3] =	sbarrier.arrive $0xFFFF  }
0x75: {  	_ =	shalt  }

// kernel: kernel.7.cloned.1.call-start
scs
__scs_entry_jumppad:
0x0: {  	(pc) =	sbr.rel $0x88, $3  }
0x1: {  	(tag) =	ssettag $0x0;
	lr =	simm.s32 $0x1  }
0x2: {  	[smem:$0x3F97] =	sst lr;
	_ =	strace $0xD0000000  }
0x3: {  	_ = 	snop  }
0x4: {  	_ = 	snop  }
0x5: {  	_ = 	snop  }
0x6: {  	_ = 	snop  }
0x7: {  	_ = 	snop  }
__scs_overlays_trampoline_lowered:
0x8: {  	[smem:$0x3FA6] =	sst s0  }
0x9: {  	[smem:$0x3FA7] =	sst s1  }
0xa: {  	[smem:$0x3FA8] =	sst s2  }
0xb: {  	[smem:$0x3FA9] =	sst s3  }
0xc: {  	[smem:$0x3FAA] =	sst s4  }
0xd: {  	[smem:$0x3FAB] =	sst s5  }
0xe: {  	[smem:$0x3FAC] =	sst s6  }
0xf: {  	[smem:$0x3FAD] =	sst s7  }
0x10: {  	[smem:$0x3FAE] =	sst s8  }
0x11: {  	[smem:$0x3FAF] =	sst s9;
	s0 =	simm.s32 @!p0 $0x0  }
0x12: {  	s1 =	sld [smem:$0x3F95];
	s0 =	simm.s32 @p0 $0x1  }
0x13: {  	[smem:$0x3FB0] =	sst s0;
	s0 =	simm.s32 @!p1 $0x0  }
0x14: {  	s2 =	sld [smem:$0x3F94];
	s0 =	simm.s32 @p1 $0x1  }
0x15: {  	[smem:$0x3FB1] =	sst s0;
	s0 =	simm.s32 @!p2 $0x0  }
0x16: {  	s3 =	sld [smem:$0x3FDB];
	s0 =	simm.s32 @p2 $0x1  }
0x17: {  	s4 =	simm.s32 $0x1BF5;
	[smem:$0x3FB3] =	sst s0  }
0x18: {  	s0 =	sld [smem:$0x3F96];
	_ =	swait.ge [sflag:s4], $0x0  }
0x19: {  	s7 =	sld [smem:$0x3F97]  }
0x1a: {  	s8 =	sadd.s32 $0xFFFFE003, lr  }
0x1b: {  	s9 =	sadd.s32 $0xFFFFFEF7, lr;
	s5 =	simm.s32 $0xFFFFFFFF;
	p2 =	slt.u32 s8, $0xFFFFF086  }
0x1c: {  	p1 =	slt.u32 s9, $0xF7A;
	s5 =	simm.s32 @!p2 $0x0  }
0x1d: {  	s5 =	simm.s32 @p1 $0x1;
	p0 =	seq.s32 s7, s2  }
0x1e: {  	s7 =	smul.u32 @!p0 $0xF7A, s2;
	p2 =	seq.s32 @!p0 s5, $0x0  }
0x1f: {  	s9 =	smul.u32 $0xF7A, s1;
	s8 =	simm.s32 @!p0 $0x1BF5;
	p2 =	por !p2, p0  }
0x20: {  	[sflag:s8] =	ssyncset.s32 @!p0 $0xFFFFF086;
	s6 =	sadd.s32 @!p0 s3, s7;
	s7 =	simm.s32 @!p0 $0x108  }
0x21: {  	s3 =	sadd.s32 s3, s9;
	s6 =	sadd.s32 @!p0 $0x88, s6;
	s7 =	simm.s32 @p2 $0x1082  }
0x22: {  	[simem:s7], [sflag:s8] =	dma.local @!p0 [hbm:s6], $0xF7A  }
0x23: {  	s9 =	sor.u32 $0xD0000000, s2;
	s6 =	simm.s32 $0x108;
	_ =	swait.ge @!p0 [sflag:s8], $0x0  }
0x24: {  	s3 =	sadd.s32 $0x88, s3;
	s6 =	simm.s32 @!p1 $0x1082;
	[sflag:s4] =	ssyncset.s32 $0xFFFFF086  }
0x25: {  	[simem:s6], [sflag:s4] =	dma.local [hbm:s3], $0xF7A  }
0x26: {  	[smem:$0x3F97] =	sst s1;
	(tag) =	ssettag s2;
	_ =	strace s9  }
0x27: {  	s1 =	sld [smem:$0x3FA7]  }
0x28: {  	s2 =	sld [smem:$0x3FA8]  }
0x29: {  	s4 =	sld [smem:$0x3FAA]  }
0x2a: {  	p0 =	seq.s32 s5, $0x0;
	s5 =	sld [smem:$0x3FAB]  }
0x2b: {  	s6 =	sld [smem:$0x3FAC]  }
0x2c: {  	s7 =	sld [smem:$0x3FAD]  }
0x2d: {  	s3 =	simm.s32 $0x108;
	s8 =	sld [smem:$0x3FAE]  }
0x2e: {  	s3 =	simm.s32 @!p0 $0x1082;
	s9 =	sld [smem:$0x3FAF]  }
0x2f: {  	lr =	sadd.s32 s0, s3;
	s0 =	sld [smem:$0x3FA6]  }
0x30: {  	s3 =	sld [smem:$0x3FA9]  }
0x31: {  	[smem:$0x3FB2] =	sst s10  }
0x32: {  	s10 =	sld [smem:$0x3FB0];
	_ =	sdelay $0x3  }
0x33: {  	p0 =	seq.s32 s10, $0x1;
	s10 =	sld [smem:$0x3FB2];
	_ =	sdelay $0x3  }
0x34: {  	[smem:$0x3FB2] =	sst s10  }
0x35: {  	s10 =	sld [smem:$0x3FB1];
	_ =	sdelay $0x3  }
0x36: {  	p1 =	seq.s32 s10, $0x1;
	s10 =	sld [smem:$0x3FB2];
	_ =	sdelay $0x3  }
0x37: {  	[smem:$0x3FB2] =	sst s10  }
0x38: {  	s10 =	sld [smem:$0x3FB3]  }
0x39: {  	_ = 	snop;
	(pc) =	sbr.ind lr, $3  }
0x3a: {  	_ = 	snop  }
0x3b: {  	_ = 	snop  }
0x3c: {  	p2 =	seq.s32 s10, $0x1;
	s10 =	sld [smem:$0x3FB2]  }
0x3d: {  	_ =	shalt  }
0x3e: {  	_ =	shalt  }
0x3f: {  	_ =	shalt  }
0x40: {  	_ =	shalt  }
0x41: {  	_ =	shalt  }
0x42: {  	_ =	shalt  }
0x43: {  	_ =	shalt  }
0x44: {  	_ =	shalt  }
0x45: {  	_ =	shalt  }
0x46: {  	_ =	shalt  }
0x47: {  	_ =	shalt  }
0x48: {  	_ =	shalt  }
0x49: {  	_ =	shalt  }
0x4a: {  	_ =	shalt  }
0x4b: {  	_ =	shalt  }
0x4c: {  	_ =	shalt  }
0x4d: {  	_ =	shalt  }
0x4e: {  	_ =	shalt  }
0x4f: {  	_ =	shalt  }
0x50: {  	_ =	shalt  }
0x51: {  	_ =	shalt  }
0x52: {  	_ =	shalt  }
0x53: {  	_ =	shalt  }
0x54: {  	_ =	shalt  }
0x55: {  	_ =	shalt  }
0x56: {  	_ =	shalt  }
0x57: {  	_ =	shalt  }
0x58: {  	_ =	shalt  }
0x59: {  	_ =	shalt  }
0x5a: {  	_ =	shalt  }
0x5b: {  	_ =	shalt  }
0x5c: {  	_ =	shalt  }
0x5d: {  	_ =	shalt  }
0x5e: {  	_ =	shalt  }
0x5f: {  	_ =	shalt  }
0x60: {  	_ =	shalt  }
0x61: {  	_ =	shalt  }
0x62: {  	_ =	shalt  }
0x63: {  	_ =	shalt  }
0x64: {  	_ =	shalt  }
0x65: {  	_ =	shalt  }
0x66: {  	_ =	shalt  }
0x67: {  	_ =	shalt  }
0x68: {  	_ =	shalt  }
0x69: {  	_ =	shalt  }
0x6a: {  	_ =	shalt  }
0x6b: {  	_ =	shalt  }
0x6c: {  	_ =	shalt  }
0x6d: {  	_ =	shalt  }
0x6e: {  	_ =	shalt  }
0x6f: {  	_ =	shalt  }
0x70: {  	_ =	shalt  }
0x71: {  	_ =	shalt  }
0x72: {  	_ =	shalt  }
0x73: {  	_ =	shalt  }
0x74: {  	_ =	shalt  }
0x75: {  	_ =	shalt  }
0x76: {  	_ =	shalt  }
0x77: {  	_ =	shalt  }
0x78: {  	_ =	shalt  }
0x79: {  	_ =	shalt  }
0x7a: {  	_ =	shalt  }
0x7b: {  	_ =	shalt  }
0x7c: {  	_ =	shalt  }
0x7d: {  	_ =	shalt  }
0x7e: {  	_ =	shalt  }
0x7f: {  	_ =	shalt  }
0x80: {  	_ =	shalt  }
0x81: {  	_ =	shalt  }
0x82: {  	_ =	shalt  }
0x83: {  	_ =	shalt  }
0x84: {  	_ =	shalt  }
0x85: {  	_ =	shalt  }
0x86: {  	_ =	shalt  }
0x87: {  	_ =	shalt  }
.Lfunc_end0:
.L_simem_size_0:
called_computation_lowered:
.L_overlay_start_0:
0x88: {  	s2 =	sld [smem:$0x3FD9]  }
0x89: {  	s3 =	sld [smem:$0x3FFE];
	_ =	sdelay $0x1  }
0x8a: {  	s1 =	srdreg.scid  }
0x8b: {  	s0 =	sand.u32 $0x1, s1  }
0x8c: {  	s17 =	sshll.u32 s0, $0xA;
	s2 =	sadd.s32 s3, s2  }
0x8d: {  	s2 =	sadd.s32 s2, s17  }
0x8e: {  	[smem:$0x3FBE] =	sst s2  }
0x8f: {  	_ = 	snop  }
0x90: {  	(tm) =	ssettm $0x1  }
0x91: {  	s18 =	sld [smem:$0x3FFB];
	_ =	sdelay $0x3  }
0x92: {  	_ =	strace s18  }
0x93: {  	s2 =	sld [smem:$0x3FFC];
	_ =	sdelay $0x3  }
0x94: {  	_ =	strace s2  }
0x95: {  	s2 =	sld [smem:$0x3FFD];
	_ =	sdelay $0x3  }
0x96: {  	_ =	strace s2  }
0x97: {  	_ =	strace $0x8FFFFFFF  }
0x98: {  	s19 =	sld [smem:$0x3FDB];
	_ =	sdelay $0x1  }
0x99: {  	s20 =	simm.s32 $_scs_section_size  }
0x9a: {  	s4 =	simm.s32 $_size__tile_overlayer_lowered;
	s5 =	simm.s32 $_tile_overlayer_lowered  }
0x9b: {  	s6 =	simm.s32 $0x1BFF;
	s21 =	sshll.u32 s5, $0x1;
	s3 =	sadd.s32 s20, s19  }
0x9c: {  	s22 =	simm.s32 $0x0;
	s4 =	sshll.u32 s4, $0x1;
	s5 =	sadd.s32 s21, s3  }
0x9d: {  	[timem:s22], [sflag:s6] =	dma.local [hbm:s5], s4  }
0x9e: {  	_ =	swait.ge [sflag:s6], s4  }
0x9f: {  	s4 =	ssub.s32 $0x0, s4;
	[sflag:s6] =	ssyncset.done $0x0  }
0xa0: {  	[sflag:s6] =	ssyncadd.s32 s4;
	_ =	sdelay $0x1  }
0xa1: {  	s23 =	simm.s32 $0x1B8B  }
0xa2: {  	_ =	swait.ge [sflag:s23], $0x1  }
0xa3: {  	[sflag:s23] =	ssyncset.done $0x0  }
0xa4: {  	[sflag:s23] =	ssyncadd.s32 $0xFFFFFFFF  }
0xa5: {  	s4 =	sld [smem:$0x0]  }
0xa6: {  	s5 =	sand.u32 $0xFFFFFFFE, s1  }
0xa7: {  	p0 =	sne.s32 s1, s5  }
0xa8: {  	s5 =	sshll.u32 @p0 s5, $0xE  }
0xa9: {  	s5 =	sadd.s32 @p0 $0x11B8D, s5;
	s6 =	sshll.u32 @p0 s4, $0x11  }
0xaa: {  	s5 =	sor.u32 @p0 s6, s5  }
0xab: {  	[sflag:s5] =	ssyncadd.remote.s32 @p0 $0x1;
	_ =	sdelay $0x1  }
0xac: {  	s5 =	simm.s32 @p0 $0x1B8D  }
0xad: {  	_ =	swait.eq @p0 [sflag:s5], $0x1  }
0xae: {  	[sflag:s5] =	ssyncadd.s32 @p0 $0xFFFFFFFF  }
0xaf: {  	s6 =	sshll.u32 @!p0 s1, $0xE  }
0xb0: {  	s6 =	sor.u32 @!p0 $0x4000, s6;
	s5 =	simm.s32 @!p0 $0x1B8D  }
0xb1: {  	s4 =	sshll.u32 @!p0 s4, $0x11;
	s6 =	sadd.s32 @!p0 $0x11B8D, s6;
	_ =	swait.eq @!p0 [sflag:s5], $0x1  }
0xb2: {  	s4 =	sor.u32 @!p0 s4, s6;
	[sflag:s5] =	ssyncadd.s32 @!p0 $0xFFFFFFFF  }
0xb3: {  	s25 =	simm.s32 $0x1B8E;
	s24 =	sld [smem:$0x3FFE];
	[sflag:s4] =	ssyncadd.remote.s32 @!p0 $0x1  }
0xb4: {  	s26 =	simm.s32 $execute0_lowered;
	[smem:$0x3FD2] =	sst s25  }
0xb5: {  	s5 =	sshll.u32 s26, $0x1;
	_ =	strace $0x80000049;
	[dreg:$0x1] =	wrdreg $0xFFFFFFFF  }
0xb6: {  	s28 =	simm.s32 $_size_execute0_lowered;
	s3 =	sadd.s32 s3, s5;
	[dreg:$0x0] =	wrdreg $0x0  }
0xb7: {  	s5 =	sshll.u32 s28, $0x1;
	[dreg:$0x2] =	wrdreg s3  }
0xb8: {  	[dreg:$0x3] =	wrdreg s5  }
0xb9: {  	[dreg:$0x4] =	wrdreg $0xC0  }
0xba: {  	_ =	task [dreg:s22], $0x5FFFF  }
0xbb: {  	[dreg:$0x1] =	wrdreg $0xFFFFFFFF  }
0xbc: {  	[dreg:$0x0] =	wrdreg $0x60  }
0xbd: {  	[dreg:$0x2] =	wrdreg s24  }
0xbe: {  	[dreg:$0x3] =	wrdreg $0x40800  }
0xbf: {  	[dreg:$0x4] =	wrdreg $0x9  }
0xc0: {  	_ =	task.clear_ibuf [dreg:s22], $0x5FFFF;
	_ =	strace $0x90000049  }
0xc1: {  	s29 =	simm.s32 $0x9;
	_ =	strace $0x8000004B  }
0xc2: {  	_ =	swait.ge [sflag:s29], $0x1  }
0xc3: {  	[sflag:s29] =	ssyncadd.s32 $0xFFFFFFFF  }
0xc4: {  	_ =	strace $0x9000004B  }
0xc5: {  	_ =	sfence  }
0xc6: {  	s30 =	sld [smem:$0x0];
	_ =	sdelay $0x2  }
0xc7: {  	s31 =	sshll.u32 s1, $0xD;
	s1 =	sshrl.u32 s1, $0x2  }
0xc8: {  	s4 =	sand.u32 $0x4000, s31;
	s1 =	sadd.s32 s1, s30  }
0xc9: {  	s0 =	sor.u32 s4, s0;
	s1 =	sshll.u32 s1, $0x11  }
0xca: {  	s0 =	sor.u32 s1, s0  }
0xcb: {  	s0 =	sadd.s32 $0x8F2B, s0  }
0xcc: {  	[sflag:s0] =	ssyncadd.remote.s32 $0x1  }
0xcd: {  	_ =	sfence.sel $0xFFFF  }
0xce: {  	[dreg:$0x0] =	wrdreg $0xFFFFFFFF;
	(pc) =	sbr.abs _section_cstart, $3  }
0xcf: {  	[dreg:$0x1] =	wrdreg $0xFFFFFFFF  }
0xd0: {  	_ =	task.clear_ibuf [dreg:s22], $0x2FFFF;
	_ =	strace $0x9FFFFFFF  }
0xd1: {  	(tm) =	ssettm $0x7FFFFFFF  }
tec
execute0_lowered:
.L_overlay_start_1:
0x0: {  	(tag) =	ssettag $0x1  }
0x1: {  	s1 =	srdreg.scid;
	s4 =	rddreg [dreg:$0x0]  }
0x2: {  	s0 =	stileid.u32;
	s2 =	rddreg [dreg:$0x1]  }
0x3: {  	s3 =	simm.s32 $0x0;
	s17 =	simm.s32 $0x0;
	s9 =	sand.u32 $0x1, s1  }
0x4: {  	s5 =	sshll.u32 s0, $0x8;
	s1 =	rddreg [dreg:$0x2];
	s28 =	smul.u32 $0x4E000, s0  }
0x5: {  	[smem:$0x7FF] =	sst s3;
	s11 =	sadd.s32 $0x64000, s4;
	s12 =	smul.u32 $0x2700, s0  }
0x6: {  	p0 =	slt.u32 s0, $0x2;
	s6 =	sshll.u32 s9, $0x7;
	s10 =	smul.u32 $0x138800, s9  }
0x7: {  	_ =	strace $0x8000004A;
	s29 =	ssub.s32 $0x2, s9;
	s15 =	smul.u32 $0x27100, s9  }
0x8: {  	s9 =	sadd.s32 $0x138000, s2;
	s5 =	sor.u32 s6, s5;
	s30 =	sshrl.u32 s29, $0x1  }
0x9: {  	s6 =	sshrl.u32 s28, $0x2;
	s5 =	sshrl.u32 s5, $0x3;
	s13 =	ssub.s32 s29, s30  }
0xa: {  	s16 =	sshrl.u32 s10, $0x3;
	s10 =	simm.s32 $0x4F;
	s12 =	sadd.s32 s12, s15  }
0xb: {  	s15 =	simm.s32 $0x80;
	s14 =	sadd.s32 s5, s4;
	s4 =	sadd.s32 s6, s2  }
0xc: {  	s31 =	sadd.s32 s11, s16;
	s10 =	simm.s32 @!p0 $0x4E;
	s11 =	sadd.s32 s11, s12  }
0xd: {  	s13 =	smax.u32 s13, $0x1;
	p0 =	sne.s32 s0, $0xF;
	s16 =	simm.s32 $0x1  }
0xe: {  	s5 =	sadd.s32 $0x4000, s4;
	s6 =	sadd.s32 $0x8000, s4;
	s7 =	sadd.s32 $0xC000, s4  }
0xf: {  	v0 =	vimm.f32 $0.0e+00;
	v1 =	vimm.f32 $1.000000000e+00;
	s8 =	sadd.s32 $0x10000, s4;
	s12 =	sadd.s32 $0x27000, s31;
	s14 =	sadd.s32 $0x2200, s14  }
.LBB2_1:
0x10: {  	s18 =	simm.s32 $0x0;
	s19 =	simm.s32 $0x200  }
.LBB2_2:
0x11: {  	p1 =	sne.s32 s19, $0xFE00;
	[tilespmem:s18+$0xF0] =	vst v0  }
0x12: {  	[tilespmem:s18+$0x80] =	vst v0  }
0x13: {  	[tilespmem:s18+$0x90] =	vst v0  }
.Ltmp0:
0x14: {  	[tilespmem:s18+$0xA0] =	vst v0;
	(pc) =	sbr.rel @p1 .LBB2_2-.Ltmp0, $4  }
0x15: {  	[tilespmem:s18+$0xB0] =	vst v0  }
0x16: {  	[tilespmem:s18+$0xC0] =	vst v0  }
0x17: {  	[tilespmem:s18+$0xD0] =	vst v0  }
0x18: {  	[tilespmem:s18+$0xE0] =	vst v0;
	s18 =	sshra.s32 s19, $0x2;
	s19 =	sadd.s32 $0x200, s19  }
0x19: {  	[tilespmem:s18+$0xF0] =	vst v0  }
0x1a: {  	[tilespmem:s18+$0x80] =	vst v0  }
0x1b: {  	[tilespmem:s18+$0x90] =	vst v0  }
0x1c: {  	[tilespmem:s18+$0xA0] =	vst v0  }
0x1d: {  	[tilespmem:s18+$0xB0] =	vst v0  }
0x1e: {  	[tilespmem:s18+$0xC0] =	vst v0  }
0x1f: {  	[tilespmem:s18+$0xD0] =	vst v0  }
0x20: {  	[tilespmem:s18+$0xE0] =	vst v0  }
0x21: {  	[spmem:s4] =	stream.linear.scatter [tilespmem:s15], [sflag:$0x1], $0x4000, $0x38;
	[tilespmem:$0x17900] =	vst v63  }
0x22: {  	_ =	swait.ge [sflag:s16], $0x4000  }
0x23: {  	[sflag:s16] =	ssyncset.done $0x0  }
0x24: {  	[sflag:s16] =	ssyncadd.s32 $0xFFFFC000  }
0x25: {  	[spmem:s5] =	stream.linear.scatter [tilespmem:s15], [sflag:$0x1], $0x4000, $0x38;
	[tilespmem:$0x17900] =	vst v63  }
0x26: {  	_ =	swait.ge [sflag:s16], $0x4000  }
0x27: {  	[sflag:s16] =	ssyncset.done $0x0  }
0x28: {  	[sflag:s16] =	ssyncadd.s32 $0xFFFFC000  }
0x29: {  	[spmem:s6] =	stream.linear.scatter [tilespmem:s15], [sflag:$0x1], $0x4000, $0x38;
	[tilespmem:$0x17900] =	vst v63  }
0x2a: {  	_ =	swait.ge [sflag:s16], $0x4000  }
0x2b: {  	[sflag:s16] =	ssyncset.done $0x0  }
0x2c: {  	[sflag:s16] =	ssyncadd.s32 $0xFFFFC000  }
0x2d: {  	[spmem:s7] =	stream.linear.scatter [tilespmem:s15], [sflag:$0x1], $0x4000, $0x38;
	[tilespmem:$0x17900] =	vst v63  }
0x2e: {  	_ =	swait.ge [sflag:s16], $0x4000  }
0x2f: {  	[sflag:s16] =	ssyncset.done $0x0  }
0x30: {  	[sflag:s16] =	ssyncadd.s32 $0xFFFFC000  }
0x31: {  	[spmem:s8] =	stream.linear.scatter [tilespmem:s15], [sflag:$0x1], $0x3800, $0x38;
	[tilespmem:$0x17900] =	vst v63  }
0x32: {  	_ =	swait.ge [sflag:s16], $0x3800  }
0x33: {  	[sflag:s16] =	ssyncset.done $0x0  }
0x34: {  	s18 =	simm.s32 @!p0 $0x80;
	[sflag:s16] =	ssyncadd.s32 $0xFFFFC800  }
0x35: {  	[spmem:s9] =	stream.linear.scatter @!p0 [tilespmem:s18], [sflag:$0x1], $0x800, $0x38;
	[tilespmem:$0x17900] =	vst v63  }
0x36: {  	s18 =	simm.s32 @!p0 $0x1  }
0x37: {  	_ =	swait.ge @!p0 [sflag:s18], $0x800  }
0x38: {  	[sflag:s18] =	ssyncset.done @!p0 $0x0  }
0x39: {  	s19 =	simm.s32 $0x200;
	[sflag:s18] =	ssyncadd.s32 @!p0 $0xFFFFF800;
	s18 =	simm.s32 $0x0  }
.LBB2_4:
0x3a: {  	p1 =	sne.s32 s19, $0xFE00;
	[tilespmem:s18+$0xF0] =	vst v1  }
0x3b: {  	[tilespmem:s18+$0x80] =	vst v1  }
0x3c: {  	[tilespmem:s18+$0x90] =	vst v1  }
.Ltmp1:
0x3d: {  	[tilespmem:s18+$0xA0] =	vst v1;
	(pc) =	sbr.rel @p1 .LBB2_4-.Ltmp1, $4  }
0x3e: {  	[tilespmem:s18+$0xB0] =	vst v1  }
0x3f: {  	[tilespmem:s18+$0xC0] =	vst v1  }
0x40: {  	[tilespmem:s18+$0xD0] =	vst v1  }
0x41: {  	[tilespmem:s18+$0xE0] =	vst v1;
	s18 =	sshra.s32 s19, $0x2;
	s19 =	sadd.s32 $0x200, s19  }
0x42: {  	[tilespmem:s18+$0xF0] =	vst v1  }
0x43: {  	[tilespmem:s18+$0x80] =	vst v1  }
0x44: {  	[tilespmem:s18+$0x90] =	vst v1  }
0x45: {  	[tilespmem:s18+$0xA0] =	vst v1  }
0x46: {  	[tilespmem:s18+$0xB0] =	vst v1  }
0x47: {  	[tilespmem:s18+$0xC0] =	vst v1  }
0x48: {  	[tilespmem:s18+$0xD0] =	vst v1  }
0x49: {  	[tilespmem:s18+$0xE0] =	vst v1  }
0x4a: {  	[bflag:$0x0] =	sbarrier.arrive $0xFFFF  }
0x4b: {  	[tilespmem:s3], [sflag:$0x1] =	stream.linear.gather [hbm4b:s14+s3], $0x80, $0x38;
	[tilespmem:$0x17900] =	vst v63  }
0x4c: {  	p1 =	sne.s32 s10, $0x1;
	_ =	swait.ge [sflag:s16], $0x80  }
.Ltmp2:
0x4d: {  	[sflag:s16] =	ssyncset.done $0x0;
	(pc) =	sbr.rel @!p1 .LBB2_7-.Ltmp2, $4  }
0x4e: {  	[sflag:s16] =	ssyncadd.s32 $0xFFFFFF80  }
0x4f: {  	[spmem:s2] =	stream.indirect.scatter.add.f32 [tilespmem:s15], [sflag:$0x1], $0x80, s3, s15, $0xb8;
	[tilespmem:$0x17900] =	vst v63  }
0x50: {  	_ =	swait.ge [sflag:s16], $0x4000  }
0x51: {  	s18 =	sadd.s32 $0xFFFFFFFF, s10;
	s19 =	smov.u32 s14;
	[sflag:s16] =	ssyncset.done $0x0  }
.LBB2_6:
0x52: {  	p1 =	sne.s32 s18, $0x1;
	[sflag:s16] =	ssyncadd.s32 $0xFFFFC000;
	s19 =	sadd.s32 $0x200, s19  }
0x53: {  	[tilespmem:s3], [sflag:$0x1] =	stream.linear.gather [hbm4b:s19+s3], $0x80, $0x38;
	[tilespmem:$0x17900] =	vst v63  }
0x54: {  	s18 =	sadd.s32 $0xFFFFFFFF, s18;
	_ =	swait.ge [sflag:s16], $0x80  }
.Ltmp3:
0x55: {  	[sflag:s16] =	ssyncset.done $0x0;
	(pc) =	sbr.rel @p1 .LBB2_6-.Ltmp3, $4  }
0x56: {  	[sflag:s16] =	ssyncadd.s32 $0xFFFFFF80  }
0x57: {  	[spmem:s2] =	stream.indirect.scatter.add.f32 [tilespmem:s15], [sflag:$0x1], $0x80, s3, s15, $0xb8;
	[tilespmem:$0x17900] =	vst v63  }
0x58: {  	_ =	swait.ge [sflag:s16], $0x4000  }
0x59: {  	[sflag:s16] =	ssyncset.done $0x0  }
.LBB2_7:
0x5a: {  	[sflag:s16] =	ssyncadd.s32 $0xFFFFC000;
	s18 =	sshll.u32 s0, $0x6  }
0x5b: {  	s19 =	sshrl.u32 s4, $0x3;
	[bflag:$0x0] =	sbarrier.arrive $0xFFFF;
	s18 =	sor.u32 $0x1C01, s18  }
0x5c: {  	[hbm:s11], [sflag:s18] =	dma.local [spmem:s19], $0x2700  }
0x5d: {  	_ =	swait.ge [sflag:s16], $0x2700  }
0x5e: {  	s17 =	sadd.s32 $0x1, s17;
	[sflag:s16] =	ssyncset.done $0x0  }
0x5f: {  	p1 =	sne.s32 s17, s13;
	s19 =	sshrl.u32 @!p0 s9, $0x3;
	[sflag:s16] =	ssyncadd.s32 $0xFFFFD900  }
0x60: {  	[hbm:s12], [sflag:s18] =	dma.local @!p0 [spmem:s19], $0x100  }
.Ltmp4:
0x61: {  	_ = 	snop;
	(pc) =	sbr.rel @p1 .LBB2_1-.Ltmp4, $4  }
0x62: {  	s18 =	simm.s32 @!p0 $0x1  }
0x63: {  	_ =	swait.ge @!p0 [sflag:s18], $0x100  }
0x64: {  	[sflag:s18] =	ssyncset.done @!p0 $0x0  }
0x65: {  	[sflag:s18] =	ssyncadd.s32 @!p0 $0xFFFFFF00  }
0x66: {  	_ =	sfence.sel $0x180000  }
0x67: {  	[bflag:$0x0] =	sbarrier.arrive $0xFFFF  }
0x68: {  	p0 =	sne.s32 s0, $0x0;
	_ =	strace $0x9000004A  }
0x69: {  	s0 =	sadd.s32 @!p0 $0x100000, s1;
	[bflag:$0x2] =	sbarrier.arrive $0xFFFF  }
0x6a: {  	[sflag:s0] =	ssyncadd.tile.s32 @!p0 $0x1;
	_ =	shalt  }
.Lfunc_end2:
_tile_overlayer_lowered:
.L_overlay_start_2:
0x6b: {  	(tag) =	ssettag $0x2  }
0x6c: {  	s0 =	rddreg [dreg:$0x0];
	s2 =	stileid.u32  }
0x6d: {  	s1 =	rddreg [dreg:$0x1];
	p0 =	sne.s32 s2, $0x0  }
0x6e: {  	s3 =	rddreg [dreg:$0x2];
	[bflag:$0x3] =	sbarrier.arrive $0xFFFF;
	s2 =	simm.s32 @!p0 $0x1C01  }
0x6f: {  	[timem:s3], [sflag:s2] =	dma.local @!p0 [hbm:s0], s1  }
0x70: {  	s0 =	simm.s32 @!p0 $0x1  }
0x71: {  	_ =	swait.ge @!p0 [sflag:s0], s1  }
0x72: {  	s1 =	ssub.s32 @!p0 $0x0, s1;
	[sflag:s0] =	ssyncset.done @!p0 $0x0  }
0x73: {  	[sflag:s0] =	ssyncadd.s32 @!p0 s1  }
0x74: {  	[bflag:$0x3] =	sbarrier.arrive $0xFFFF  }
0x75: {  	_ =	shalt  }

</sc_bundles>
